<compile_context>
chip_gen: v7x
topology: tpu7x:2x2x1
jax: 0.10.2.dev20260603
libtpu: 0.0.44.dev20260713+nightly
codegen_flags: <defaults>
</compile_context>

<pallas_src>
import functools
import math

import jax
import jax.numpy as jnp
from jax import lax
from jax.experimental import pallas as pl
from jax.experimental.pallas import tpu as pltpu
from jax.experimental.pallas import tpu_sc as plsc

KNN_K = 20
SIREN_OMEGA = 30.0
N_FOURIER = 10
NEG = float('-inf')

try:
    _SC = plsc.get_sparse_core_info()
    _NC, _NS = _SC.num_cores, _SC.num_subcores
except Exception:
    _NC, _NS = 2, 16
_NW = _NC * _NS


def _leaky(z):
    return jnp.where(z >= 0, z, 0.2 * z)



def _dist_body(x_row_ref, x_all_ref, out_ref):
    xr = x_row_ref[0]
    xa = x_all_ref[0]
    inner = jax.lax.dot_general(xr, xa, (((0,), (0,)), ((), ())),
                                preferred_element_type=jnp.float32)
    xx_r = jnp.sum(xr * xr, axis=0)
    xx_a = jnp.sum(xa * xa, axis=0)
    out_ref[0] = 2.0 * inner - xx_r[:, None] - xx_a[None, :]


def _neg_dist(x):
    B, C, N = x.shape
    RT = 512
    return pl.pallas_call(
        _dist_body,
        grid=(B, N // RT),
        in_specs=[
            pl.BlockSpec((1, C, RT), lambda b, r: (b, 0, r)),
            pl.BlockSpec((1, C, N), lambda b, r: (b, 0, 0)),
        ],
        out_specs=pl.BlockSpec((1, RT, N), lambda b, r: (b, r, 0)),
        out_shape=jax.ShapeDtypeStruct((B, N, N), jnp.float32),
    )(x, x)



def _lane_splat_f32(vec, lane, iota):
    m = jnp.where(iota == lane, vec, jnp.full((16,), NEG, jnp.float32))
    return jnp.full((16,), jnp.max(m))


NBR = 24


@functools.partial(jax.jit, static_argnames=('n_pts', 'cp'))
def _sc_topk_gather(scores, xt, n_pts, cp):
    BN, N = scores.shape
    K = KNN_K
    rows_per_w = BN // _NW
    mesh = plsc.VectorSubcoreMesh(core_axis_name="c", subcore_axis_name="s")

    @functools.partial(
        pl.kernel,
        out_type=jax.ShapeDtypeStruct((BN, NBR, cp), jnp.float32),
        mesh=mesh,
        compiler_params=pltpu.CompilerParams(needs_layout_passes=False,
                                             use_tc_tiling_on_sc=False),
        scratch_types=[
            pltpu.VMEM((2, 1, N), jnp.float32),
            pltpu.VMEM((N,), jnp.int32),
            pltpu.VMEM((NBR,), jnp.int32),
            pltpu.VMEM((NBR, cp), jnp.float32),
            pltpu.SemaphoreType.DMA,
            pltpu.SemaphoreType.DMA,
        ],
    )
    def body(scores_hbm, xt_hbm, nbr_hbm, row_v, cand_v, sel_v, rows_v,
             rsem, gsem):
        wid = lax.axis_index("s") * _NC + lax.axis_index("c")
        base = wid * rows_per_w
        bN = (base // n_pts) * n_pts
        iota = lax.iota(jnp.int32, 16)
        nvecs = N // 16
        neg_v = jnp.full((16,), NEG, jnp.float32)

        pltpu.async_copy(scores_hbm.at[pl.ds(base, 1)], row_v.at[0], rsem)

        def do_row(r, _carry):
            i = base + r
            buf = lax.rem(r, 2)
            pltpu.make_async_copy(
                scores_hbm.at[pl.ds(i, 1)], row_v.at[buf], rsem).wait()

            @pl.when(r + 1 < rows_per_w)
            def _prefetch():
                pltpu.async_copy(scores_hbm.at[pl.ds(i + 1, 1)],
                                 row_v.at[1 - buf], rsem)

            def amax(h):
                def st(j, acc):
                    return jnp.maximum(
                        acc, row_v[buf, 0, pl.ds(h * (N // 2) + j * 16, 16)])
                return lax.fori_loop(0, nvecs // 2, st, neg_v)
            acc0 = amax(0)
            acc1 = amax(1)
            s0, _ = plsc.sort_key_val(acc0, iota, descending=True)
            s1, _ = plsc.sort_key_val(acc1, iota, descending=True)
            hmin = jnp.minimum(s0, jnp.flip(s1, 0))
            sh, _ = plsc.sort_key_val(hmin, iota, descending=True)
            t_lb = _lane_splat_f32(sh, 3, iota)

            def bstep(j, off):
                v = row_v[buf, 0, pl.ds(j * 16, 16)]
                m = v >= t_lb
                csum = plsc.cumsum(m.astype(jnp.int32))
                pos = off + csum - 1
                plsc.store_scatter(cand_v, [pos], j * 16 + iota, mask=m)
                return off + plsc.all_reduce_population_count(m)
            offv = lax.fori_loop(0, nvecs, bstep,
                                 jnp.zeros((16,), jnp.int32))
            ncand = jnp.max(offv)
            nvec_c = (ncand + 15) // 16
            ncand_v = jnp.full((16,), ncand)
            zero16 = jnp.zeros((16,), jnp.int32)

            def load_cand(v):
                idxs = cand_v[pl.ds(v * 16, 16)]
                ok = (v * 16 + iota) < ncand_v
                idxs = jnp.where(ok, idxs, zero16)
                vals = plsc.load_gather(
                    row_v, [jnp.full((16,), buf), zero16, idxs])
                return idxs, jnp.where(ok, vals, neg_v)

            def cstep(v, carry):
                T0, T1 = carry
                _, vals = load_cand(v)
                s, _ = plsc.sort_key_val(vals, iota, descending=True)
                u0 = jnp.maximum(T1, jnp.flip(s, 0))
                su, _ = plsc.sort_key_val(u0, iota, descending=True)
                ru = jnp.flip(su, 0)
                n0, _ = plsc.sort_key_val(jnp.maximum(T0, ru), iota,
                                          descending=True)
                n1, _ = plsc.sort_key_val(jnp.minimum(T0, ru), iota,
                                          descending=True)
                return n0, n1
            _, T1 = lax.fori_loop(0, nvec_c, cstep, (neg_v, neg_v))
            t20 = _lane_splat_f32(T1, 3, iota)

            self_v = jnp.full((16,), i)
            sel_v[pl.ds(0, 16)] = self_v
            sel_v[pl.ds(NBR - 16, 16)] = self_v
            cap = jnp.full((16,), NBR)

            def d1(v, cnt):
                idxs, vals = load_cand(v)
                m = vals > t20
                pos = cnt + plsc.cumsum(m.astype(jnp.int32)) - 1
                keep = m & (pos < cap)
                plsc.store_scatter(sel_v, [pos], bN + idxs, mask=keep)
                return cnt + plsc.all_reduce_population_count(keep)
            ngt = lax.fori_loop(0, nvec_c, d1, jnp.zeros((16,), jnp.int32))

            def d2(v, cnt):
                idxs, vals = load_cand(v)
                m = vals == t20
                c = cnt + plsc.cumsum(m.astype(jnp.int32))
                keep = m & (c <= K)
                plsc.store_scatter(sel_v, [c - 1], bN + idxs, mask=keep)
                return cnt + plsc.all_reduce_population_count(keep)
            lax.fori_loop(0, nvec_c, d2, ngt)

            pltpu.async_copy(xt_hbm.at[sel_v], rows_v, gsem).wait()
            pltpu.sync_copy(rows_v, nbr_hbm.at[i])
            return _carry

        lax.fori_loop(0, rows_per_w, do_row, jnp.int32(0))

    return body(scores, xt)



def _conv_body(nbr_ref, wa_ref, wb_ref, hmax_ref, s1_ref, s2_ref):
    xi = nbr_ref[:, KNN_K, :]
    a = jax.lax.dot_general(xi, wa_ref[...], (((1,), (0,)), ((), ())),
                            preferred_element_type=jnp.float32)
    wb = wb_ref[...]
    acc = None
    s1 = jnp.float32(0.0)
    s2 = jnp.float32(0.0)
    for kk in range(KNN_K):
        h = a + jax.lax.dot_general(
            nbr_ref[:, kk, :] - xi, wb, (((1,), (0,)), ((), ())),
            preferred_element_type=jnp.float32)
        s1 = s1 + jnp.sum(h)
        s2 = s2 + jnp.sum(h * h)
        acc = h if acc is None else jnp.maximum(acc, h)
    hmax_ref[...] = acc
    s1_ref[...] = s1.reshape(1, 1, 1)
    s2_ref[...] = s2.reshape(1, 1, 1)


def _conv(nbr, wa, wb):
    BN, NB, Cp = nbr.shape
    O = wa.shape[1]
    P = 512
    G = BN // P
    return pl.pallas_call(
        _conv_body,
        grid=(G,),
        in_specs=[
            pl.BlockSpec((P, NB, Cp), lambda g: (g, 0, 0)),
            pl.BlockSpec((Cp, O), lambda g: (0, 0)),
            pl.BlockSpec((Cp, O), lambda g: (0, 0)),
        ],
        out_specs=[
            pl.BlockSpec((P, O), lambda g: (g, 0)),
            pl.BlockSpec((1, 1, 1), lambda g: (g, 0, 0)),
            pl.BlockSpec((1, 1, 1), lambda g: (g, 0, 0)),
        ],
        out_shape=[
            jax.ShapeDtypeStruct((BN, O), jnp.float32),
            jax.ShapeDtypeStruct((G, 1, 1), jnp.float32),
            jax.ShapeDtypeStruct((G, 1, 1), jnp.float32),
        ],
    )(nbr, wa, wb)



def _norm_body(h_ref, mu_ref, den_ref, g_ref, b_ref, o_ref):
    mu = mu_ref[0]
    den = den_ref[0]
    xn = (h_ref[0] - mu) / den
    o_ref[0] = _leaky(xn * g_ref[...] + b_ref[...])


def _norm(h, mu, den, gamma, beta, B):
    BN, O = h.shape
    N = BN // B
    P = 1024
    h3 = h.reshape(B, N, O)
    return pl.pallas_call(
        _norm_body,
        grid=(B, N // P),
        in_specs=[
            pl.BlockSpec((1, P, O), lambda b, g: (b, g, 0)),
            pl.BlockSpec((1, 1, 1), lambda b, g: (b, 0, 0)),
            pl.BlockSpec((1, 1, 1), lambda b, g: (b, 0, 0)),
            pl.BlockSpec((1, O), lambda b, g: (0, 0)),
            pl.BlockSpec((1, O), lambda b, g: (0, 0)),
        ],
        out_specs=pl.BlockSpec((1, P, O), lambda b, g: (b, g, 0)),
        out_shape=jax.ShapeDtypeStruct((B, N, O), jnp.float32),
    )(h3, mu.reshape(B, 1, 1), den.reshape(B, 1, 1),
      gamma.reshape(1, O), beta.reshape(1, O))



def _fuse_body(c_ref, w_ref, m_ref, s1_ref, s2_ref):
    h = jax.lax.dot_general(c_ref[...], w_ref[...], (((1,), (0,)), ((), ())),
                            preferred_element_type=jnp.float32)
    m_ref[...] = jnp.max(h, axis=0).reshape(1, 1, -1)
    s1_ref[...] = jnp.sum(h).reshape(1, 1, 1)
    s2_ref[...] = jnp.sum(h * h).reshape(1, 1, 1)


def _fuse(cat, wt):
    BN, C = cat.shape
    O = wt.shape[1]
    P = 512
    G = BN // P
    return pl.pallas_call(
        _fuse_body,
        grid=(G,),
        in_specs=[
            pl.BlockSpec((P, C), lambda g: (g, 0)),
            pl.BlockSpec((C, O), lambda g: (0, 0)),
        ],
        out_specs=[
            pl.BlockSpec((1, 1, O), lambda g: (g, 0, 0)),
            pl.BlockSpec((1, 1, 1), lambda g: (g, 0, 0)),
            pl.BlockSpec((1, 1, 1), lambda g: (g, 0, 0)),
        ],
        out_shape=[
            jax.ShapeDtypeStruct((G, 1, O), jnp.float32),
            jax.ShapeDtypeStruct((G, 1, 1), jnp.float32),
            jax.ShapeDtypeStruct((G, 1, 1), jnp.float32),
        ],
    )(cat, wt)



def _heads_body(m_ref, muf_ref, denf_ref, fg_ref, fb_ref, cond_ref,
                c1t_ref, c1b_ref, c2t_ref, c2b_ref,
                s1t_ref, s1b_ref, s2t_ref, s2b_ref,
                q_ref, f1t_ref, f1b_ref, f1ft_ref, f1fb_ref,
                f2t_ref, f2b_ref, f2ft_ref, f2fb_ref,
                fow_ref, fob_ref, scal_ref, field_ref):
    def dot(a, b):
        return jax.lax.dot_general(a, b, (((1,), (0,)), ((), ())),
                                   preferred_element_type=jnp.float32)
    mu = muf_ref[0]
    den = denf_ref[0]
    g_geo = _leaky((m_ref[0] - mu) / den * fg_ref[...] + fb_ref[...])
    c = jnp.maximum(dot(cond_ref[0], c1t_ref[...]) + c1b_ref[...], 0.0)
    c = dot(c, c2t_ref[...]) + c2b_ref[...]
    g = jnp.concatenate([g_geo, c], axis=1)
    s = _leaky(dot(g, s1t_ref[...]) + s1b_ref[...])
    scal_ref[0] = dot(s, s2t_ref[...]) + s2b_ref[...]

    q = q_ref[0]
    b1 = dot(g, f1ft_ref[...]) + f1fb_ref[...]
    b2 = dot(g, f2ft_ref[...]) + f2fb_ref[...]
    h1 = jax.lax.dot_general(q, f1t_ref[...], (((0,), (0,)), ((), ())),
                             preferred_element_type=jnp.float32)
    q1 = jnp.sin(SIREN_OMEGA * (h1 + f1b_ref[...]) + b1)
    q2 = jnp.sin(SIREN_OMEGA * (dot(q1, f2t_ref[...]) + f2b_ref[...]) + b2)
    f = jax.lax.dot_general(fow_ref[...], q2, (((1,), (1,)), ((), ())),
                            preferred_element_type=jnp.float32)
    field_ref[0] = f + fob_ref[...].reshape(-1, 1)


def _heads(m, muf, denf, cond, q, p):
    B = m.shape[0]
    M = q.shape[2]
    full = lambda shape: pl.BlockSpec(shape, lambda b: tuple(0 for _ in shape))
    perb = lambda shape: pl.BlockSpec(
        shape, lambda b, _n=len(shape): (b,) + tuple(0 for _ in range(_n - 1)))
    args = [
        (m.reshape(B, 1, 512), perb((1, 1, 512))),
        (muf.reshape(B, 1, 1), perb((1, 1, 1))),
        (denf.reshape(B, 1, 1), perb((1, 1, 1))),
        (p['fuse_g'].reshape(1, 512), full((1, 512))),
        (p['fuse_b'].reshape(1, 512), full((1, 512))),
        (cond.reshape(B, 1, 2), perb((1, 1, 2))),
        (p['c1_W'].T, full((2, 64))),
        (p['c1_b'].reshape(1, 64), full((1, 64))),
        (p['c2_W'].T, full((64, 64))),
        (p['c2_b'].reshape(1, 64), full((1, 64))),
        (p['s1_W'].T, full((576, 256))),
        (p['s1_b'].reshape(1, 256), full((1, 256))),
        (p['s2_W'].T, full((256, 2))),
        (p['s2_b'].reshape(1, 2), full((1, 2))),
        (q, perb((1, 63, M))),
        (p['f1_W'].T, full((63, 256))),
        (p['f1_b'].reshape(1, 256), full((1, 256))),
        (p['f1_fW'].T, full((576, 256))),
        (p['f1_fb'].reshape(1, 256), full((1, 256))),
        (p['f2_W'].T, full((256, 256))),
        (p['f2_b'].reshape(1, 256), full((1, 256))),
        (p['f2_fW'].T, full((576, 256))),
        (p['f2_fb'].reshape(1, 256), full((1, 256))),
        (p['fo_W'], full((4, 256))),
        (p['fo_b'].reshape(1, 4), full((1, 4))),
    ]
    return pl.pallas_call(
        _heads_body,
        grid=(B,),
        in_specs=[a[1] for a in args],
        out_specs=[
            pl.BlockSpec((1, 1, 2), lambda b: (b, 0, 0)),
            pl.BlockSpec((1, 4, M), lambda b: (b, 0, 0)),
        ],
        out_shape=[
            jax.ShapeDtypeStruct((B, 1, 2), jnp.float32),
            jax.ShapeDtypeStruct((B, 4, M), jnp.float32),
        ],
    )(*[a[0] for a in args])



def _pad_cols(a, cp):
    c = a.shape[-1]
    if c == cp:
        return a
    return jnp.pad(a, ((0, 0), (0, cp - c)))


def _edge_layer(xcn, W, gamma, beta):
    B, C, N = xcn.shape
    O = W.shape[0]
    cp = max(16, C)
    scores = _neg_dist(xcn).reshape(B * N, N)
    xt = _pad_cols(jnp.transpose(xcn, (0, 2, 1)).reshape(B * N, C), cp)
    nbr = _sc_topk_gather(scores, xt, n_pts=N, cp=cp)

    wa = jnp.zeros((cp, O), jnp.float32).at[:C].set(W[:, :C].T)
    wb = jnp.zeros((cp, O), jnp.float32).at[:C].set(W[:, C:].T)

    hmax, s1p, s2p = _conv(nbr, wa, wb)
    cnt = O * N * KNN_K
    s1 = s1p.reshape(B, -1).sum(axis=1)
    s2 = s2p.reshape(B, -1).sum(axis=1)
    mean = s1 / cnt
    var = s2 / cnt - mean * mean
    den = jnp.sqrt(var + 1e-5)
    return _norm(hmax, mean, den, gamma, beta, B)


def kernel(x, cond, qxyz, params):
    p = params
    B, _, N = x.shape
    x1 = _edge_layer(x, p['ec1_W'], p['ec1_g'], p['ec1_b'])
    x2 = _edge_layer(jnp.transpose(x1, (0, 2, 1)),
                     p['ec2_W'], p['ec2_g'], p['ec2_b'])
    x3 = _edge_layer(jnp.transpose(x2, (0, 2, 1)),
                     p['ec3_W'], p['ec3_g'], p['ec3_b'])
    cat = jnp.concatenate([x1, x2, x3], axis=2).reshape(B * N, 256)

    mblk, s1p, s2p = _fuse(cat, p['fuse_W'].T)
    GB = mblk.shape[0] // B
    m = jnp.max(mblk.reshape(B, GB, 512), axis=1)
    cntf = 512 * N
    s1 = s1p.reshape(B, GB).sum(axis=1)
    s2 = s2p.reshape(B, GB).sum(axis=1)
    muf = s1 / cntf
    varf = s2 / cntf - muf * muf
    denf = jnp.sqrt(varf + 1e-5)

    Bq = qxyz.shape[0]
    freqs = jnp.pi * (2.0 ** jnp.arange(N_FOURIER, dtype=jnp.float32))
    xs = qxyz[..., None] * freqs.reshape(1, 1, 1, -1)
    sins = jnp.sin(xs).reshape(Bq, 3 * N_FOURIER, -1)
    coss = jnp.cos(xs).reshape(Bq, 3 * N_FOURIER, -1)
    q = jnp.concatenate([qxyz, sins, coss], axis=1)

    scalars, field = _heads(m, muf, denf, cond, q, p)
    return (scalars.reshape(B, 2), field)

# --- scband reference (transcript-rebuilt; emitter-appended) ---
"""Pipeline reference for scband-dgcnn-6150393168311 (READ-ONLY COPY).

The authoritative reference and input builder live on the scoring server;
editing this copy changes nothing except your own understanding.
"""

import math
import jax, jax.numpy as jnp
import numpy as np

K = 20
OMEGA = 30.0
L_FOURIER = 10


def _leaky(z):
    return jnp.where(z >= 0, z, 0.2 * z)


def _gn(x, gamma, beta):
    # GroupNorm(1, C): normalize over channel + spatial dims per sample (norm_type='layer')
    axes = tuple(range(1, x.ndim))
    mean = jnp.mean(x, axis=axes, keepdims=True)
    var = jnp.var(x, axis=axes, keepdims=True)
    xn = (x - mean) / jnp.sqrt(var + 1e-5)
    shape = (1, -1) + (1,) * (x.ndim - 2)
    return xn * gamma.reshape(shape) + beta.reshape(shape)


def _knn(x, k):
    # x: (B, C, N) -> idx: (B, N, k) nearest neighbours in feature space
    inner = jnp.einsum('bcn,bcm->bnm', x, x)
    xx = jnp.sum(x * x, axis=1)
    neg_dist = 2.0 * inner - xx[:, :, None] - xx[:, None, :]
    _, idx = jax.lax.top_k(neg_dist, k)
    return idx


def _edge_features(x, k):
    # x: (B, C, N) -> (B, 2C, N, k) with [centre, neighbour - centre]
    B, C, N = x.shape
    idx = _knn(x, k)
    x_t = jnp.transpose(x, (0, 2, 1))  # (B, N, C)
    nbr = jax.vmap(lambda xt, id_: xt[id_])(x_t, idx)  # (B, N, k, C) gather
    centre = jnp.broadcast_to(x_t[:, :, None, :], (B, N, k, C))
    edge = jnp.concatenate([centre, nbr - centre], axis=-1)
    return jnp.transpose(edge, (0, 3, 1, 2))


def _edge_conv(x, W, gamma, beta, k):
    e = _edge_features(x, k)
    h = jnp.einsum('oc,bcnk->bonk', W, e)  # Conv2d 1x1, no bias
    h = _gn(h, gamma, beta)
    h = _leaky(h)
    return jnp.max(h, axis=-1)  # max-pool over k


def _fourier(xyz, L):
    # faithful to torch FourierEncoder (including its reshape ordering)
    B = xyz.shape[0]
    freqs = np.pi * (2.0 ** jnp.arange(L, dtype=jnp.float32))
    xs = xyz[..., None] * freqs.reshape(1, 1, 1, -1)  # (B, 3, N, L)
    sins = jnp.sin(xs).reshape(B, 3 * L, -1)
    coss = jnp.cos(xs).reshape(B, 3 * L, -1)
    return jnp.concatenate([xyz, sins, coss], axis=1)  # (B, 3 + 6L, N)


def _film_siren(x, g, W, b, fW, fb):
    # sin(omega * (W x + b) + film_bias(g))
    h = OMEGA * (jnp.einsum('oc,bcn->bon', W, x) + b[None, :, None])
    bias = (g @ fW.T + fb)[:, :, None]
    return jnp.sin(h + bias)


def setup_inputs(seed: int = 0):
    key = jax.random.key(seed)
    ks = jax.random.split(key, 20)
    x = jax.random.normal(ks[0], (2, 8, 4096), dtype=jnp.float32)
    cond = jax.random.normal(ks[1], (2, 2), dtype=jnp.float32)
    qxyz = jax.random.uniform(ks[2], (2, 3, 2048), dtype=jnp.float32, minval=-1.0, maxval=1.0)

    def w(k_, shape, scale):
        return scale * jax.random.normal(k_, shape, dtype=jnp.float32)

    params = {
        'ec1_W': w(ks[3], (64, 16), 0.25), 'ec1_g': jnp.ones(64, jnp.float32), 'ec1_b': jnp.zeros(64, jnp.float32),
        'ec2_W': w(ks[4], (64, 128), 0.09), 'ec2_g': jnp.ones(64, jnp.float32), 'ec2_b': jnp.zeros(64, jnp.float32),
        'ec3_W': w(ks[5], (128, 128), 0.09), 'ec3_g': jnp.ones(128, jnp.float32), 'ec3_b': jnp.zeros(128, jnp.float32),
        'fuse_W': w(ks[6], (512, 256), 0.06), 'fuse_g': jnp.ones(512, jnp.float32), 'fuse_b': jnp.zeros(512, jnp.float32),
        'c1_W': w(ks[7], (64, 2), 0.7), 'c1_b': jnp.zeros(64, jnp.float32),
        'c2_W': w(ks[8], (64, 64), 0.125), 'c2_b': jnp.zeros(64, jnp.float32),
        's1_W': w(ks[9], (256, 576), 0.04), 's1_b': jnp.zeros(256, jnp.float32),
        's2_W': w(ks[10], (2, 256), 0.06), 's2_b': jnp.zeros(2, jnp.float32),
        'f1_W': w(ks[11], (256, 63), 1.0 / 63.0), 'f1_b': jnp.zeros(256, jnp.float32),
        'f1_fW': w(ks[12], (256, 576), 0.01), 'f1_fb': jnp.zeros(256, jnp.float32),
        'f2_W': w(ks[13], (256, 256), math.sqrt(6.0 / 256.0) / OMEGA), 'f2_b': jnp.zeros(256, jnp.float32),
        'f2_fW': w(ks[14], (256, 576), 0.01), 'f2_fb': jnp.zeros(256, jnp.float32),
        'fo_W': w(ks[15], (4, 256), 0.06), 'fo_b': jnp.zeros(4, jnp.float32),
    }
    return {'x': x, 'cond': cond, 'qxyz': qxyz, 'params': params}


def reference(x, cond, qxyz, params):
    p = params
    # dynamic EdgeConv stack (kNN graph rebuilt on current features)
    x1 = _edge_conv(x, p['ec1_W'], p['ec1_g'], p['ec1_b'], K)
    x2 = _edge_conv(x1, p['ec2_W'], p['ec2_g'], p['ec2_b'], K)
    x3 = _edge_conv(x2, p['ec3_W'], p['ec3_g'], p['ec3_b'], K)
    cat = jnp.concatenate([x1, x2, x3], axis=1)  # (B, 256, N)
    h = jnp.einsum('oc,bcn->bon', p['fuse_W'], cat)
    h = _gn(h, p['fuse_g'], p['fuse_b'])
    h = _leaky(h)
    g_geo = jnp.max(h, axis=-1)  # global max pool -> (B, 512)
    # operating-point conditioning branch
    c = jax.nn.relu(cond @ p['c1_W'].T + p['c1_b'])
    c = c @ p['c2_W'].T + p['c2_b']
    g = jnp.concatenate([g_geo, c], axis=1)  # (B, 576)
    # scalar head (dropout inactive at inference)
    s = _leaky(g @ p['s1_W'].T + p['s1_b'])
    scalars = s @ p['s2_W'].T + p['s2_b']  # (B, 2)
    # field head: Fourier encode + FiLM-SIREN conditioned on g
    q = _fourier(qxyz, L_FOURIER)  # (B, 63, M)
    q = _film_siren(q, g, p['f1_W'], p['f1_b'], p['f1_fW'], p['f1_fb'])
    q = _film_siren(q, g, p['f2_W'], p['f2_b'], p['f2_fW'], p['f2_fb'])
    field = jnp.einsum('oc,bcn->bon', p['fo_W'], q) + p['fo_b'][None, :, None]  # (B, 4, M)
    return (scalars, field)

if __name__ == "__main__":
    import jax
    _d = setup_inputs()
    print(jax.jit(kernel)(*tuple(_d.values())))

</pallas_src>

<mosaic_0001>
#map = affine_map<(d0, d1) -> (0, 0)>
#map1 = affine_map<(d0, d1) -> (0, 0, 0)>
module attributes {stable_mosaic.version = 14 : i64} {
  func.func @body(%arg0: i32, %arg1: i32, %arg2: memref<8192x4096xf32, #tpu.memory_space<hbm>>, %arg3: memref<8192x16xf32, #tpu.memory_space<hbm>>, %arg4: memref<8192x24x16xf32, #tpu.memory_space<hbm>>, %arg5: memref<2x1x4096xf32, #tpu.memory_space<vmem>>, %arg6: memref<4096xi32, #tpu.memory_space<vmem>>, %arg7: memref<24xi32, #tpu.memory_space<vmem>>, %arg8: memref<24x16xf32, #tpu.memory_space<vmem>>, %arg9: memref<!tpu.dma_semaphore, #tpu.memory_space<semaphore_mem>>, %arg10: memref<!tpu.dma_semaphore, #tpu.memory_space<semaphore_mem>>) attributes {dimension_semantics = [#tpu.dimension_semantics<core_parallel>, #tpu.dimension_semantics<subcore_parallel>], iteration_bounds = array<i64: 2, 16>, scalar_prefetch = 0 : i64, scratch_operands = 6 : i64, tpu.core_type = #tpu.core_type<sc_vector_subcore>, window_params = [{transform_indices = #map}, {transform_indices = #map}, {transform_indices = #map1}]} {
    %mul3A = arith.constant 2 : i32
    %mul3A_0 = arith.muli %arg1, %mul3A : i32
    %add3A = arith.addi %mul3A_0, %arg0 : i32
    %mul3A_1 = arith.constant 256 : i32
    %mul3A_2 = arith.muli %add3A, %mul3A_1 : i32
    %jit3A = arith.constant 4096 : i32
    %div3A = arith.divsi %mul3A_2, %jit3A : i32
    %sign3A = arith.constant 0 : i32
    %sign3A_3 = arith.cmpi sgt, %mul3A_2, %sign3A : i32
    %sign3A_4 = arith.extui %sign3A_3 : i1 to i32
    %sign3A_5 = arith.constant 0 : i32
    %sign3A_6 = arith.cmpi slt, %mul3A_2, %sign3A_5 : i32
    %sign3A_7 = arith.extui %sign3A_6 : i1 to i32
    %sign3A_8 = arith.subi %sign3A_4, %sign3A_7 : i32
    %sign3A_9 = arith.constant 0 : i32
    %sign3A_10 = arith.cmpi sgt, %jit3A, %sign3A_9 : i32
    %sign3A_11 = arith.extui %sign3A_10 : i1 to i32
    %sign3A_12 = arith.constant 0 : i32
    %sign3A_13 = arith.cmpi slt, %jit3A, %sign3A_12 : i32
    %sign3A_14 = arith.extui %sign3A_13 : i1 to i32
    %sign3A_15 = arith.subi %sign3A_11, %sign3A_14 : i32
    %ne3A = arith.cmpi ne, %sign3A_8, %sign3A_15 : i32
    %rem3A = arith.remsi %mul3A_2, %jit3A : i32
    %ne3A_16 = arith.constant 0 : i32
    %ne3A_17 = arith.cmpi ne, %rem3A, %ne3A_16 : i32
    %and3A = arith.andi %ne3A, %ne3A_17 : i1
    %sub3A = arith.constant 1 : i32
    %sub3A_18 = arith.subi %div3A, %sub3A : i32
    %select_n3A = arith.select %and3A, %sub3A_18, %div3A : i32
    %mul3A_19 = arith.constant 4096 : i32
    %mul3A_20 = arith.muli %select_n3A, %mul3A_19 : i32
    %iota3A = tpu.iota {dimensions = array<i32: 0>} : vector<16xi32>
    %broadcast_in_dim3A = arith.constant 0xFF800000 : f32
    %broadcast_in_dim3A_21 = vector.broadcast %broadcast_in_dim3A : f32 to vector<16xf32>
    %dma_start3A = arith.constant 0 : i32
    %dma_start3A_22 = arith.constant 0 : i32
    %dma_start3A_23 = arith.constant 0 : i32
    %dma_start3A_24 = tpu.memref_slice %arg5[%dma_start3A, %dma_start3A_22, %dma_start3A_23] : memref<2x1x4096xf32, #tpu.memory_space<vmem>> -> memref<1x1x4096xf32, #tpu.memory_space<vmem>>
    %dma_start3A_25 = tpu.memref_squeeze %dma_start3A_24 : memref<1x1x4096xf32, #tpu.memory_space<vmem>> -> memref<1x4096xf32, #tpu.memory_space<vmem>>
    %dma_start3A_26 = arith.constant 0 : i32
    %dma_start3A_27 = tpu.memref_slice %arg2[%mul3A_2, %dma_start3A_26] : memref<8192x4096xf32, #tpu.memory_space<hbm>> -> memref<1x4096xf32, #tpu.memory_space<hbm>>
    %dma_start3A_28 = arith.constant 0 : i32
    %dma_start3A_29 = arith.constant 0 : i32
    %dma_start3A_30 = tpu.memref_slice %arg5[%dma_start3A, %dma_start3A_28, %dma_start3A_29] : memref<2x1x4096xf32, #tpu.memory_space<vmem>> -> memref<1x1x4096xf32, #tpu.memory_space<vmem>>
    %dma_start3A_31 = tpu.memref_squeeze %dma_start3A_30 : memref<1x1x4096xf32, #tpu.memory_space<vmem>> -> memref<1x4096xf32, #tpu.memory_space<vmem>>
    %dma_start3A_32 = arith.constant 0 : i32
    %dma_start3A_33 = tpu.memref_slice %arg2[%mul3A_2, %dma_start3A_32] : memref<8192x4096xf32, #tpu.memory_space<hbm>> -> memref<1x4096xf32, #tpu.memory_space<hbm>>
    tpu.enqueue_dma source(%dma_start3A_33 : memref<1x4096xf32, #tpu.memory_space<hbm>>) target(%dma_start3A_31 : memref<1x4096xf32, #tpu.memory_space<vmem>>) target_semaphore(%arg9 : memref<!tpu.dma_semaphore, #tpu.memory_space<semaphore_mem>>)
    %scan3A = arith.constant 0 : i32
    %scan3A_34 = arith.constant 0 : i32
    %scan3A_35 = arith.constant 256 : i32
    %scan3A_36 = arith.addi %scan3A_34, %scan3A_35 : i32
    %scan3A_37 = arith.constant 1 : i32
    scf.for %scan3A_39 = %scan3A_34 to %scan3A_36 step %scan3A_37  : i32 {
      %add3A_40 = arith.addi %mul3A_2, %scan3A_39 : i32
      %rem3A_41 = arith.constant 2 : i32
      %rem3A_42 = arith.remsi %scan3A_39, %rem3A_41 : i32
      %dma_wait3A = arith.constant 0 : i32
      %dma_wait3A_43 = arith.constant 0 : i32
      %dma_wait3A_44 = tpu.memref_slice %arg5[%rem3A_42, %dma_wait3A, %dma_wait3A_43] : memref<2x1x4096xf32, #tpu.memory_space<vmem>> -> memref<1x1x4096xf32, #tpu.memory_space<vmem>>
      %dma_wait3A_45 = tpu.memref_squeeze %dma_wait3A_44 : memref<1x1x4096xf32, #tpu.memory_space<vmem>> -> memref<1x4096xf32, #tpu.memory_space<vmem>>
      %dma_wait3A_46 = arith.constant 0 : i32
      %dma_wait3A_47 = tpu.memref_slice %arg2[%add3A_40, %dma_wait3A_46] : memref<8192x4096xf32, #tpu.memory_space<hbm>> -> memref<1x4096xf32, #tpu.memory_space<hbm>>
      %dma_wait3A_48 = arith.constant 0 : i32
      %dma_wait3A_49 = arith.constant 0 : i32
      %dma_wait3A_50 = tpu.memref_slice %arg5[%rem3A_42, %dma_wait3A_48, %dma_wait3A_49] : memref<2x1x4096xf32, #tpu.memory_space<vmem>> -> memref<1x1x4096xf32, #tpu.memory_space<vmem>>
      %dma_wait3A_51 = tpu.memref_squeeze %dma_wait3A_50 : memref<1x1x4096xf32, #tpu.memory_space<vmem>> -> memref<1x4096xf32, #tpu.memory_space<vmem>>
      %dma_wait3A_52 = arith.constant 0 : i32
      %dma_wait3A_53 = tpu.memref_slice %arg2[%add3A_40, %dma_wait3A_52] : memref<8192x4096xf32, #tpu.memory_space<hbm>> -> memref<1x4096xf32, #tpu.memory_space<hbm>>
      tpu.wait_dma2 semaphore(%arg9 : memref<!tpu.dma_semaphore, #tpu.memory_space<semaphore_mem>>) src(%dma_wait3A_53 : memref<1x4096xf32, #tpu.memory_space<hbm>>) dst(%dma_wait3A_51 : memref<1x4096xf32, #tpu.memory_space<vmem>>)
      %add3A_54 = arith.constant 1 : i32
      %add3A_55 = arith.addi %scan3A_39, %add3A_54 : i32
      %lt3A = arith.constant 256 : i32
      %lt3A_56 = arith.cmpi slt, %add3A_55, %lt3A : i32
      %convert_element_type3A = arith.extui %lt3A_56 : i1 to i32
      %cond3A = arith.constant 0 : i32
      %cond3A_57 = arith.cmpi ne, %convert_element_type3A, %cond3A : i32
      scf.if %cond3A_57 {
        %add3A_196 = arith.constant 1 : i32
        %add3A_197 = arith.addi %add3A_40, %add3A_196 : i32
        %sub3A_198 = arith.constant 1 : i32
        %sub3A_199 = arith.subi %sub3A_198, %rem3A_42 : i32
        %dma_start3A_200 = arith.constant 0 : i32
        %dma_start3A_201 = arith.constant 0 : i32
        %dma_start3A_202 = tpu.memref_slice %arg5[%sub3A_199, %dma_start3A_200, %dma_start3A_201] : memref<2x1x4096xf32, #tpu.memory_space<vmem>> -> memref<1x1x4096xf32, #tpu.memory_space<vmem>>
        %dma_start3A_203 = tpu.memref_squeeze %dma_start3A_202 : memref<1x1x4096xf32, #tpu.memory_space<vmem>> -> memref<1x4096xf32, #tpu.memory_space<vmem>>
        %dma_start3A_204 = arith.constant 0 : i32
        %dma_start3A_205 = tpu.memref_slice %arg2[%add3A_197, %dma_start3A_204] : memref<8192x4096xf32, #tpu.memory_space<hbm>> -> memref<1x4096xf32, #tpu.memory_space<hbm>>
        %dma_start3A_206 = arith.constant 0 : i32
        %dma_start3A_207 = arith.constant 0 : i32
        %dma_start3A_208 = tpu.memref_slice %arg5[%sub3A_199, %dma_start3A_206, %dma_start3A_207] : memref<2x1x4096xf32, #tpu.memory_space<vmem>> -> memref<1x1x4096xf32, #tpu.memory_space<vmem>>
        %dma_start3A_209 = tpu.memref_squeeze %dma_start3A_208 : memref<1x1x4096xf32, #tpu.memory_space<vmem>> -> memref<1x4096xf32, #tpu.memory_space<vmem>>
        %dma_start3A_210 = arith.constant 0 : i32
        %dma_start3A_211 = tpu.memref_slice %arg2[%add3A_197, %dma_start3A_210] : memref<8192x4096xf32, #tpu.memory_space<hbm>> -> memref<1x4096xf32, #tpu.memory_space<hbm>>
        tpu.enqueue_dma source(%dma_start3A_211 : memref<1x4096xf32, #tpu.memory_space<hbm>>) target(%dma_start3A_209 : memref<1x4096xf32, #tpu.memory_space<vmem>>) target_semaphore(%arg9 : memref<!tpu.dma_semaphore, #tpu.memory_space<semaphore_mem>>)
      } else {
      }
      %scan3A_58 = arith.constant 0 : i32
      %scan3A_59 = arith.constant 128 : i32
      %scan3A_60 = arith.addi %scan3A_58, %scan3A_59 : i32
      %scan3A_61 = arith.constant 1 : i32
      %scan3A_62 = scf.for %scan3A_196 = %scan3A_58 to %scan3A_60 step %scan3A_61 iter_args(%scan3A_197 = %broadcast_in_dim3A_21) -> (vector<16xf32>)  : i32 {
        %mul3A_198 = arith.constant 16 : i32
        %mul3A_199 = arith.muli %scan3A_196, %mul3A_198 : i32
        %add3A_200 = arith.constant 0 : i32
        %add3A_201 = arith.addi %add3A_200, %mul3A_199 : i32
        %get3A = arith.constant 0 : i32
        %get3A_202 = arith.index_cast %rem3A_42 : i32 to index
        %get3A_203 = arith.index_cast %get3A : i32 to index
        %get3A_204 = arith.index_cast %add3A_201 : i32 to index
        %get3A_205 = tpu.vector_load %arg5[%get3A_202, %get3A_203, %get3A_204] {strides = array<i32>} : memref<2x1x4096xf32, #tpu.memory_space<vmem>>, vector<16xf32>,
        %max3A = arith.maximumf %scan3A_197, %get3A_205 : vector<16xf32>
        scf.yield %max3A : vector<16xf32>
      }
      %scan3A_63 = arith.constant 128 : i32
      %scan3A_64 = arith.constant 0 : i32
      %scan3A_65 = arith.constant 128 : i32
      %scan3A_66 = arith.addi %scan3A_64, %scan3A_65 : i32
      %scan3A_67 = arith.constant 1 : i32
      %scan3A_68 = scf.for %scan3A_196 = %scan3A_64 to %scan3A_66 step %scan3A_67 iter_args(%scan3A_197 = %broadcast_in_dim3A_21) -> (vector<16xf32>)  : i32 {
        %mul3A_198 = arith.constant 16 : i32
        %mul3A_199 = arith.muli %scan3A_196, %mul3A_198 : i32
        %add3A_200 = arith.constant 2048 : i32
        %add3A_201 = arith.addi %add3A_200, %mul3A_199 : i32
        %get3A = arith.constant 0 : i32
        %get3A_202 = arith.index_cast %rem3A_42 : i32 to index
        %get3A_203 = arith.index_cast %get3A : i32 to index
        %get3A_204 = arith.index_cast %add3A_201 : i32 to index
        %get3A_205 = tpu.vector_load %arg5[%get3A_202, %get3A_203, %get3A_204] {strides = array<i32>} : memref<2x1x4096xf32, #tpu.memory_space<vmem>>, vector<16xf32>,
        %max3A = arith.maximumf %scan3A_197, %get3A_205 : vector<16xf32>
        scf.yield %max3A : vector<16xf32>
      }
      %scan3A_69 = arith.constant 128 : i32
      %masked_sort3A = arith.constant dense<true> : vector<16xi1>
      %masked_sort3A_70, %masked_sort3A_71, %masked_sort3A_72 = tpu.sort %scan3A_62, %iota3A masked %masked_sort3A {descending = true} : (vector<16xf32>, vector<16xi32>, vector<16xi1>) -> (vector<16xi1>, vector<16xf32>, vector<16xi32>)
      %masked_sort3A_73 = arith.constant dense<true> : vector<16xi1>
      %masked_sort3A_74, %masked_sort3A_75, %masked_sort3A_76 = tpu.sort %scan3A_68, %iota3A masked %masked_sort3A_73 {descending = true} : (vector<16xf32>, vector<16xi32>, vector<16xi1>) -> (vector<16xi1>, vector<16xf32>, vector<16xi32>)
      %rev3A = arith.constant 15 : i32
      %rev3A_77 = vector.broadcast %rev3A : i32 to vector<16xi32>
      %rev3A_78 = tpu.iota {dimensions = array<i32: 0>} : vector<16xi32>
      %rev3A_79 = arith.subi %rev3A_77, %rev3A_78 : vector<16xi32>
      %rev3A_80 = tpu.dynamic_gather %masked_sort3A_75[%rev3A_79] in [0] : vector<16xf32>, vector<16xi32> -> vector<16xf32>
      %min3A = arith.minimumf %masked_sort3A_71, %rev3A_80 : vector<16xf32>
      %masked_sort3A_81 = arith.constant dense<true> : vector<16xi1>
      %masked_sort3A_82, %masked_sort3A_83, %masked_sort3A_84 = tpu.sort %min3A, %iota3A masked %masked_sort3A_81 {descending = true} : (vector<16xf32>, vector<16xi32>, vector<16xi1>) -> (vector<16xi1>, vector<16xf32>, vector<16xi32>)
      %eq3A = arith.constant 3 : i32
      %eq3A_85 = vector.broadcast %eq3A : i32 to vector<16xi32>
      %eq3A_86 = arith.cmpi eq, %iota3A, %eq3A_85 : vector<16xi32>
      %broadcast_in_dim3A_87 = arith.constant 0xFF800000 : f32
      %broadcast_in_dim3A_88 = vector.broadcast %broadcast_in_dim3A_87 : f32 to vector<16xf32>
      %select_n3A_89 = arith.select %eq3A_86, %masked_sort3A_83, %broadcast_in_dim3A_88 : vector<16xi1>, vector<16xf32>
      %reduce_max3A = arith.constant true
      %reduce_max3A_90 = vector.broadcast %reduce_max3A : i1 to vector<16xi1>
      %reduce_max3A_91 = tpu.scan <max>, %select_n3A_89 masked %reduce_max3A_90 : vector<16xf32>, vector<16xi1> -> vector<16xf32>
      %reduce_max3A_92 = vector.extract %reduce_max3A_91[15] : f32 from vector<16xf32>
      %broadcast_in_dim3A_93 = vector.broadcast %reduce_max3A_92 : f32 to vector<16xf32>
      %broadcast_in_dim3A_94 = arith.constant 0 : i32
      %broadcast_in_dim3A_95 = vector.broadcast %broadcast_in_dim3A_94 : i32 to vector<16xi32>
      %scan3A_96 = arith.constant 0 : i32
      %scan3A_97 = arith.constant 256 : i32
      %scan3A_98 = arith.addi %scan3A_96, %scan3A_97 : i32
      %scan3A_99 = arith.constant 1 : i32
      %scan3A_100 = scf.for %scan3A_196 = %scan3A_96 to %scan3A_98 step %scan3A_99 iter_args(%scan3A_197 = %broadcast_in_dim3A_95) -> (vector<16xi32>)  : i32 {
        %mul3A_198 = arith.constant 16 : i32
        %mul3A_199 = arith.muli %scan3A_196, %mul3A_198 : i32
        %get3A = arith.constant 0 : i32
        %get3A_200 = arith.index_cast %rem3A_42 : i32 to index
        %get3A_201 = arith.index_cast %get3A : i32 to index
        %get3A_202 = arith.index_cast %mul3A_199 : i32 to index
        %get3A_203 = tpu.vector_load %arg5[%get3A_200, %get3A_201, %get3A_202] {strides = array<i32>} : memref<2x1x4096xf32, #tpu.memory_space<vmem>>, vector<16xf32>,
        %ge3A = arith.cmpf oge, %get3A_203, %broadcast_in_dim3A_93 : vector<16xf32>
        %convert_element_type3A_204 = arith.extui %ge3A : vector<16xi1> to vector<16xi32>
        %broadcast_in_dim3A_205 = arith.constant true
        %broadcast_in_dim3A_206 = vector.broadcast %broadcast_in_dim3A_205 : i1 to vector<16xi1>
        %masked_cumsum3A = tpu.scan <sum>, %convert_element_type3A_204 masked %broadcast_in_dim3A_206 : vector<16xi32>, vector<16xi1> -> vector<16xi32>
        %add3A_207 = arith.addi %scan3A_197, %masked_cumsum3A : vector<16xi32>
        %sub3A_208 = arith.constant 1 : i32
        %sub3A_209 = vector.broadcast %sub3A_208 : i32 to vector<16xi32>
        %sub3A_210 = arith.subi %add3A_207, %sub3A_209 : vector<16xi32>
        %mul3A_211 = arith.constant 16 : i32
        %mul3A_212 = arith.muli %scan3A_196, %mul3A_211 : i32
        %add3A_213 = vector.broadcast %mul3A_212 : i32 to vector<16xi32>
        %add3A_214 = arith.addi %add3A_213, %iota3A : vector<16xi32>
        tpu.vector_store_idx %arg6[%sub3A_210], %add3A_214 masked %ge3A : memref<4096xi32, #tpu.memory_space<vmem>>[vector<16xi32>], vector<16xi32>, vector<16xi1>
        %all_reduce_population_count3A = tpu.all_reduce %ge3A {dim = 0 : i64, kind = #tpu.reduction_kind<sum>} : vector<16xi1> -> vector<16xi32>
        %add3A_215 = arith.addi %scan3A_197, %all_reduce_population_count3A : vector<16xi32>
        scf.yield %add3A_215 : vector<16xi32>
      }
      %scan3A_101 = arith.constant 256 : i32
      %reduce_max3A_102 = arith.constant true
      %reduce_max3A_103 = vector.broadcast %reduce_max3A_102 : i1 to vector<16xi1>
      %reduce_max3A_104 = arith.constant -2147483648 : i32
      %reduce_max3A_105 = vector.broadcast %reduce_max3A_104 : i32 to vector<16xi32>
      %reduce_max3A_106 = arith.xori %scan3A_100, %reduce_max3A_105 : vector<16xi32>
      %reduce_max3A_107 = tpu.scan <max>, %reduce_max3A_106 masked %reduce_max3A_103 : vector<16xi32>, vector<16xi1> -> vector<16xi32>
      %reduce_max3A_108 = arith.xori %reduce_max3A_107, %reduce_max3A_105 : vector<16xi32>
      %reduce_max3A_109 = vector.extract %reduce_max3A_108[15] : i32 from vector<16xi32>
      %add3A_110 = arith.constant 15 : i32
      %add3A_111 = arith.addi %reduce_max3A_109, %add3A_110 : i32
      %jit3A_112 = arith.constant 16 : i32
      %div3A_113 = arith.divsi %add3A_111, %jit3A_112 : i32
      %sign3A_114 = arith.constant 0 : i32
      %sign3A_115 = arith.cmpi sgt, %add3A_111, %sign3A_114 : i32
      %sign3A_116 = arith.extui %sign3A_115 : i1 to i32
      %sign3A_117 = arith.constant 0 : i32
      %sign3A_118 = arith.cmpi slt, %add3A_111, %sign3A_117 : i32
      %sign3A_119 = arith.extui %sign3A_118 : i1 to i32
      %sign3A_120 = arith.subi %sign3A_116, %sign3A_119 : i32
      %sign3A_121 = arith.constant 0 : i32
      %sign3A_122 = arith.cmpi sgt, %jit3A_112, %sign3A_121 : i32
      %sign3A_123 = arith.extui %sign3A_122 : i1 to i32
      %sign3A_124 = arith.constant 0 : i32
      %sign3A_125 = arith.cmpi slt, %jit3A_112, %sign3A_124 : i32
      %sign3A_126 = arith.extui %sign3A_125 : i1 to i32
      %sign3A_127 = arith.subi %sign3A_123, %sign3A_126 : i32
      %ne3A_128 = arith.cmpi ne, %sign3A_120, %sign3A_127 : i32
      %rem3A_129 = arith.remsi %add3A_111, %jit3A_112 : i32
      %ne3A_130 = arith.constant 0 : i32
      %ne3A_131 = arith.cmpi ne, %rem3A_129, %ne3A_130 : i32
      %and3A_132 = arith.andi %ne3A_128, %ne3A_131 : i1
      %sub3A_133 = arith.constant 1 : i32
      %sub3A_134 = arith.subi %div3A_113, %sub3A_133 : i32
      %select_n3A_135 = arith.select %and3A_132, %sub3A_134, %div3A_113 : i32
      %broadcast_in_dim3A_136 = vector.broadcast %reduce_max3A_109 : i32 to vector<16xi32>
      %broadcast_in_dim3A_137 = arith.constant 0 : i32
      %broadcast_in_dim3A_138 = vector.broadcast %broadcast_in_dim3A_137 : i32 to vector<16xi32>
      %while3A = arith.constant 0 : i32
      %while3A_139 = arith.subi %select_n3A_135, %while3A : i32
      %while3A_140 = arith.addi %while3A, %while3A_139 : i32
      %while3A_141 = arith.constant 1 : i32
      %while3A_142 = arith.divsi %while3A_139, %while3A_141 : i32
      %while3A_143 = arith.muli %while3A_142, %while3A_141 : i32
      %while3A_144 = arith.addi %while3A, %while3A_143 : i32
      %while3A_145 = arith.constant 1 : i32
      %while3A_146:2 = scf.for %while3A_196 = %while3A to %while3A_144 step %while3A_145 iter_args(%while3A_197 = %broadcast_in_dim3A_21, %while3A_198 = %broadcast_in_dim3A_21) -> (vector<16xf32>, vector<16xf32>)  : i32 {
        %mul3A_199 = arith.constant 16 : i32
        %mul3A_200 = arith.muli %while3A_196, %mul3A_199 : i32
        %get3A = arith.index_cast %mul3A_200 : i32 to index
        %get3A_201 = tpu.vector_load %arg6[%get3A] {strides = array<i32>} : memref<4096xi32, #tpu.memory_space<vmem>>, vector<16xi32>,
        %mul3A_202 = arith.constant 16 : i32
        %mul3A_203 = arith.muli %while3A_196, %mul3A_202 : i32
        %add3A_204 = vector.broadcast %mul3A_203 : i32 to vector<16xi32>
        %add3A_205 = arith.addi %add3A_204, %iota3A : vector<16xi32>
        %lt3A_206 = arith.cmpi slt, %add3A_205, %broadcast_in_dim3A_136 : vector<16xi32>
        %select_n3A_207 = arith.select %lt3A_206, %get3A_201, %broadcast_in_dim3A_138 : vector<16xi1>, vector<16xi32>
        %broadcast_in_dim3A_208 = vector.broadcast %rem3A_42 : i32 to vector<16xi32>
        %gather3A = tpu.vector_load_idx %arg5[%broadcast_in_dim3A_208, %broadcast_in_dim3A_138, %select_n3A_207] : memref<2x1x4096xf32, #tpu.memory_space<vmem>>[vector<16xi32>, vector<16xi32>, vector<16xi32>], vector<16xf32>,
        %select_n3A_209 = arith.select %lt3A_206, %gather3A, %broadcast_in_dim3A_21 : vector<16xi1>, vector<16xf32>
        %masked_sort3A_210 = arith.constant dense<true> : vector<16xi1>
        %masked_sort3A_211, %masked_sort3A_212, %masked_sort3A_213 = tpu.sort %select_n3A_209, %iota3A masked %masked_sort3A_210 {descending = true} : (vector<16xf32>, vector<16xi32>, vector<16xi1>) -> (vector<16xi1>, vector<16xf32>, vector<16xi32>)
        %rev3A_214 = arith.constant 15 : i32
        %rev3A_215 = vector.broadcast %rev3A_214 : i32 to vector<16xi32>
        %rev3A_216 = tpu.iota {dimensions = array<i32: 0>} : vector<16xi32>
        %rev3A_217 = arith.subi %rev3A_215, %rev3A_216 : vector<16xi32>
        %rev3A_218 = tpu.dynamic_gather %masked_sort3A_212[%rev3A_217] in [0] : vector<16xf32>, vector<16xi32> -> vector<16xf32>
        %max3A = arith.maximumf %while3A_198, %rev3A_218 : vector<16xf32>
        %masked_sort3A_219 = arith.constant dense<true> : vector<16xi1>
        %masked_sort3A_220, %masked_sort3A_221, %masked_sort3A_222 = tpu.sort %max3A, %iota3A masked %masked_sort3A_219 {descending = true} : (vector<16xf32>, vector<16xi32>, vector<16xi1>) -> (vector<16xi1>, vector<16xf32>, vector<16xi32>)
        %rev3A_223 = arith.constant 15 : i32
        %rev3A_224 = vector.broadcast %rev3A_223 : i32 to vector<16xi32>
        %rev3A_225 = tpu.iota {dimensions = array<i32: 0>} : vector<16xi32>
        %rev3A_226 = arith.subi %rev3A_224, %rev3A_225 : vector<16xi32>
        %rev3A_227 = tpu.dynamic_gather %masked_sort3A_221[%rev3A_226] in [0] : vector<16xf32>, vector<16xi32> -> vector<16xf32>
        %max3A_228 = arith.maximumf %while3A_197, %rev3A_227 : vector<16xf32>
        %masked_sort3A_229 = arith.constant dense<true> : vector<16xi1>
        %masked_sort3A_230, %masked_sort3A_231, %masked_sort3A_232 = tpu.sort %max3A_228, %iota3A masked %masked_sort3A_229 {descending = true} : (vector<16xf32>, vector<16xi32>, vector<16xi1>) -> (vector<16xi1>, vector<16xf32>, vector<16xi32>)
        %min3A_233 = arith.minimumf %while3A_197, %rev3A_227 : vector<16xf32>
        %masked_sort3A_234 = arith.constant dense<true> : vector<16xi1>
        %masked_sort3A_235, %masked_sort3A_236, %masked_sort3A_237 = tpu.sort %min3A_233, %iota3A masked %masked_sort3A_234 {descending = true} : (vector<16xf32>, vector<16xi32>, vector<16xi1>) -> (vector<16xi1>, vector<16xf32>, vector<16xi32>)
        scf.yield %masked_sort3A_231, %masked_sort3A_236 : vector<16xf32>, vector<16xf32>
      }
      %while3A_147 = arith.constant 1 : i32
      %while3A_148:2 = scf.for %while3A_196 = %while3A_144 to %while3A_140 step %while3A_147 iter_args(%while3A_197 = %while3A_146#0, %while3A_198 = %while3A_146#1) -> (vector<16xf32>, vector<16xf32>)  : i32 {
        %mul3A_199 = arith.constant 16 : i32
        %mul3A_200 = arith.muli %while3A_196, %mul3A_199 : i32
        %get3A = arith.index_cast %mul3A_200 : i32 to index
        %get3A_201 = tpu.vector_load %arg6[%get3A] {strides = array<i32>} : memref<4096xi32, #tpu.memory_space<vmem>>, vector<16xi32>,
        %mul3A_202 = arith.constant 16 : i32
        %mul3A_203 = arith.muli %while3A_196, %mul3A_202 : i32
        %add3A_204 = vector.broadcast %mul3A_203 : i32 to vector<16xi32>
        %add3A_205 = arith.addi %add3A_204, %iota3A : vector<16xi32>
        %lt3A_206 = arith.cmpi slt, %add3A_205, %broadcast_in_dim3A_136 : vector<16xi32>
        %select_n3A_207 = arith.select %lt3A_206, %get3A_201, %broadcast_in_dim3A_138 : vector<16xi1>, vector<16xi32>
        %broadcast_in_dim3A_208 = vector.broadcast %rem3A_42 : i32 to vector<16xi32>
        %gather3A = tpu.vector_load_idx %arg5[%broadcast_in_dim3A_208, %broadcast_in_dim3A_138, %select_n3A_207] : memref<2x1x4096xf32, #tpu.memory_space<vmem>>[vector<16xi32>, vector<16xi32>, vector<16xi32>], vector<16xf32>,
        %select_n3A_209 = arith.select %lt3A_206, %gather3A, %broadcast_in_dim3A_21 : vector<16xi1>, vector<16xf32>
        %masked_sort3A_210 = arith.constant dense<true> : vector<16xi1>
        %masked_sort3A_211, %masked_sort3A_212, %masked_sort3A_213 = tpu.sort %select_n3A_209, %iota3A masked %masked_sort3A_210 {descending = true} : (vector<16xf32>, vector<16xi32>, vector<16xi1>) -> (vector<16xi1>, vector<16xf32>, vector<16xi32>)
        %rev3A_214 = arith.constant 15 : i32
        %rev3A_215 = vector.broadcast %rev3A_214 : i32 to vector<16xi32>
        %rev3A_216 = tpu.iota {dimensions = array<i32: 0>} : vector<16xi32>
        %rev3A_217 = arith.subi %rev3A_215, %rev3A_216 : vector<16xi32>
        %rev3A_218 = tpu.dynamic_gather %masked_sort3A_212[%rev3A_217] in [0] : vector<16xf32>, vector<16xi32> -> vector<16xf32>
        %max3A = arith.maximumf %while3A_198, %rev3A_218 : vector<16xf32>
        %masked_sort3A_219 = arith.constant dense<true> : vector<16xi1>
        %masked_sort3A_220, %masked_sort3A_221, %masked_sort3A_222 = tpu.sort %max3A, %iota3A masked %masked_sort3A_219 {descending = true} : (vector<16xf32>, vector<16xi32>, vector<16xi1>) -> (vector<16xi1>, vector<16xf32>, vector<16xi32>)
        %rev3A_223 = arith.constant 15 : i32
        %rev3A_224 = vector.broadcast %rev3A_223 : i32 to vector<16xi32>
        %rev3A_225 = tpu.iota {dimensions = array<i32: 0>} : vector<16xi32>
        %rev3A_226 = arith.subi %rev3A_224, %rev3A_225 : vector<16xi32>
        %rev3A_227 = tpu.dynamic_gather %masked_sort3A_221[%rev3A_226] in [0] : vector<16xf32>, vector<16xi32> -> vector<16xf32>
        %max3A_228 = arith.maximumf %while3A_197, %rev3A_227 : vector<16xf32>
        %masked_sort3A_229 = arith.constant dense<true> : vector<16xi1>
        %masked_sort3A_230, %masked_sort3A_231, %masked_sort3A_232 = tpu.sort %max3A_228, %iota3A masked %masked_sort3A_229 {descending = true} : (vector<16xf32>, vector<16xi32>, vector<16xi1>) -> (vector<16xi1>, vector<16xf32>, vector<16xi32>)
        %min3A_233 = arith.minimumf %while3A_197, %rev3A_227 : vector<16xf32>
        %masked_sort3A_234 = arith.constant dense<true> : vector<16xi1>
        %masked_sort3A_235, %masked_sort3A_236, %masked_sort3A_237 = tpu.sort %min3A_233, %iota3A masked %masked_sort3A_234 {descending = true} : (vector<16xf32>, vector<16xi32>, vector<16xi1>) -> (vector<16xi1>, vector<16xf32>, vector<16xi32>)
        scf.yield %masked_sort3A_231, %masked_sort3A_236 : vector<16xf32>, vector<16xf32>
      }
      %eq3A_149 = arith.constant 3 : i32
      %eq3A_150 = vector.broadcast %eq3A_149 : i32 to vector<16xi32>
      %eq3A_151 = arith.cmpi eq, %iota3A, %eq3A_150 : vector<16xi32>
      %broadcast_in_dim3A_152 = arith.constant 0xFF800000 : f32
      %broadcast_in_dim3A_153 = vector.broadcast %broadcast_in_dim3A_152 : f32 to vector<16xf32>
      %select_n3A_154 = arith.select %eq3A_151, %while3A_148#1, %broadcast_in_dim3A_153 : vector<16xi1>, vector<16xf32>
      %reduce_max3A_155 = arith.constant true
      %reduce_max3A_156 = vector.broadcast %reduce_max3A_155 : i1 to vector<16xi1>
      %reduce_max3A_157 = tpu.scan <max>, %select_n3A_154 masked %reduce_max3A_156 : vector<16xf32>, vector<16xi1> -> vector<16xf32>
      %reduce_max3A_158 = vector.extract %reduce_max3A_157[15] : f32 from vector<16xf32>
      %broadcast_in_dim3A_159 = vector.broadcast %reduce_max3A_158 : f32 to vector<16xf32>
      %broadcast_in_dim3A_160 = vector.broadcast %add3A_40 : i32 to vector<16xi32>
      %swap3A = arith.constant 0 : index
      %swap3A_161 = tpu.vector_load %arg7[%swap3A] {strides = array<i32>} : memref<24xi32, #tpu.memory_space<vmem>>, vector<16xi32>,
      tpu.vector_store %arg7[%swap3A], %broadcast_in_dim3A_160 {strides = array<i32>} : memref<24xi32, #tpu.memory_space<vmem>>, vector<16xi32>,
      %swap3A_162 = arith.constant 8 : index
      %swap3A_163 = tpu.vector_load %arg7[%swap3A_162] {strides = array<i32>} : memref<24xi32, #tpu.memory_space<vmem>>, vector<16xi32>,
      tpu.vector_store %arg7[%swap3A_162], %broadcast_in_dim3A_160 {strides = array<i32>} : memref<24xi32, #tpu.memory_space<vmem>>, vector<16xi32>,
      %broadcast_in_dim3A_164 = arith.constant 24 : i32
      %broadcast_in_dim3A_165 = vector.broadcast %broadcast_in_dim3A_164 : i32 to vector<16xi32>
      %broadcast_in_dim3A_166 = arith.constant 0 : i32
      %broadcast_in_dim3A_167 = vector.broadcast %broadcast_in_dim3A_166 : i32 to vector<16xi32>
      %while3A_168 = arith.constant 0 : i32
      %while3A_169 = arith.subi %select_n3A_135, %while3A_168 : i32
      %while3A_170 = arith.addi %while3A_168, %while3A_169 : i32
      %while3A_171 = arith.constant 1 : i32
      %while3A_172 = arith.divsi %while3A_169, %while3A_171 : i32
      %while3A_173 = arith.muli %while3A_172, %while3A_171 : i32
      %while3A_174 = arith.addi %while3A_168, %while3A_173 : i32
      %while3A_175 = arith.constant 1 : i32
      %while3A_176 = scf.for %while3A_196 = %while3A_168 to %while3A_174 step %while3A_175 iter_args(%while3A_197 = %broadcast_in_dim3A_167) -> (vector<16xi32>)  : i32 {
        %mul3A_198 = arith.constant 16 : i32
        %mul3A_199 = arith.muli %while3A_196, %mul3A_198 : i32
        %get3A = arith.index_cast %mul3A_199 : i32 to index
        %get3A_200 = tpu.vector_load %arg6[%get3A] {strides = array<i32>} : memref<4096xi32, #tpu.memory_space<vmem>>, vector<16xi32>,
        %mul3A_201 = arith.constant 16 : i32
        %mul3A_202 = arith.muli %while3A_196, %mul3A_201 : i32
        %add3A_203 = vector.broadcast %mul3A_202 : i32 to vector<16xi32>
        %add3A_204 = arith.addi %add3A_203, %iota3A : vector<16xi32>
        %lt3A_205 = arith.cmpi slt, %add3A_204, %broadcast_in_dim3A_136 : vector<16xi32>
        %select_n3A_206 = arith.select %lt3A_205, %get3A_200, %broadcast_in_dim3A_138 : vector<16xi1>, vector<16xi32>
        %broadcast_in_dim3A_207 = vector.broadcast %rem3A_42 : i32 to vector<16xi32>
        %gather3A = tpu.vector_load_idx %arg5[%broadcast_in_dim3A_207, %broadcast_in_dim3A_138, %select_n3A_206] : memref<2x1x4096xf32, #tpu.memory_space<vmem>>[vector<16xi32>, vector<16xi32>, vector<16xi32>], vector<16xf32>,
        %select_n3A_208 = arith.select %lt3A_205, %gather3A, %broadcast_in_dim3A_21 : vector<16xi1>, vector<16xf32>
        %gt3A = arith.cmpf ogt, %select_n3A_208, %broadcast_in_dim3A_159 : vector<16xf32>
        %convert_element_type3A_209 = arith.extui %gt3A : vector<16xi1> to vector<16xi32>
        %broadcast_in_dim3A_210 = arith.constant true
        %broadcast_in_dim3A_211 = vector.broadcast %broadcast_in_dim3A_210 : i1 to vector<16xi1>
        %masked_cumsum3A = tpu.scan <sum>, %convert_element_type3A_209 masked %broadcast_in_dim3A_211 : vector<16xi32>, vector<16xi1> -> vector<16xi32>
        %add3A_212 = arith.addi %while3A_197, %masked_cumsum3A : vector<16xi32>
        %sub3A_213 = arith.constant 1 : i32
        %sub3A_214 = vector.broadcast %sub3A_213 : i32 to vector<16xi32>
        %sub3A_215 = arith.subi %add3A_212, %sub3A_214 : vector<16xi32>
        %lt3A_216 = arith.cmpi slt, %sub3A_215, %broadcast_in_dim3A_165 : vector<16xi32>
        %and3A_217 = arith.andi %gt3A, %lt3A_216 : vector<16xi1>
        %add3A_218 = vector.broadcast %mul3A_20 : i32 to vector<16xi32>
        %add3A_219 = arith.addi %add3A_218, %select_n3A_206 : vector<16xi32>
        tpu.vector_store_idx %arg7[%sub3A_215], %add3A_219 masked %and3A_217 : memref<24xi32, #tpu.memory_space<vmem>>[vector<16xi32>], vector<16xi32>, vector<16xi1>
        %all_reduce_population_count3A = tpu.all_reduce %and3A_217 {dim = 0 : i64, kind = #tpu.reduction_kind<sum>} : vector<16xi1> -> vector<16xi32>
        %add3A_220 = arith.addi %while3A_197, %all_reduce_population_count3A : vector<16xi32>
        scf.yield %add3A_220 : vector<16xi32>
      }
      %while3A_177 = arith.constant 1 : i32
      %while3A_178 = scf.for %while3A_196 = %while3A_174 to %while3A_170 step %while3A_177 iter_args(%while3A_197 = %while3A_176) -> (vector<16xi32>)  : i32 {
        %mul3A_198 = arith.constant 16 : i32
        %mul3A_199 = arith.muli %while3A_196, %mul3A_198 : i32
        %get3A = arith.index_cast %mul3A_199 : i32 to index
        %get3A_200 = tpu.vector_load %arg6[%get3A] {strides = array<i32>} : memref<4096xi32, #tpu.memory_space<vmem>>, vector<16xi32>,
        %mul3A_201 = arith.constant 16 : i32
        %mul3A_202 = arith.muli %while3A_196, %mul3A_201 : i32
        %add3A_203 = vector.broadcast %mul3A_202 : i32 to vector<16xi32>
        %add3A_204 = arith.addi %add3A_203, %iota3A : vector<16xi32>
        %lt3A_205 = arith.cmpi slt, %add3A_204, %broadcast_in_dim3A_136 : vector<16xi32>
        %select_n3A_206 = arith.select %lt3A_205, %get3A_200, %broadcast_in_dim3A_138 : vector<16xi1>, vector<16xi32>
        %broadcast_in_dim3A_207 = vector.broadcast %rem3A_42 : i32 to vector<16xi32>
        %gather3A = tpu.vector_load_idx %arg5[%broadcast_in_dim3A_207, %broadcast_in_dim3A_138, %select_n3A_206] : memref<2x1x4096xf32, #tpu.memory_space<vmem>>[vector<16xi32>, vector<16xi32>, vector<16xi32>], vector<16xf32>,
        %select_n3A_208 = arith.select %lt3A_205, %gather3A, %broadcast_in_dim3A_21 : vector<16xi1>, vector<16xf32>
        %gt3A = arith.cmpf ogt, %select_n3A_208, %broadcast_in_dim3A_159 : vector<16xf32>
        %convert_element_type3A_209 = arith.extui %gt3A : vector<16xi1> to vector<16xi32>
        %broadcast_in_dim3A_210 = arith.constant true
        %broadcast_in_dim3A_211 = vector.broadcast %broadcast_in_dim3A_210 : i1 to vector<16xi1>
        %masked_cumsum3A = tpu.scan <sum>, %convert_element_type3A_209 masked %broadcast_in_dim3A_211 : vector<16xi32>, vector<16xi1> -> vector<16xi32>
        %add3A_212 = arith.addi %while3A_197, %masked_cumsum3A : vector<16xi32>
        %sub3A_213 = arith.constant 1 : i32
        %sub3A_214 = vector.broadcast %sub3A_213 : i32 to vector<16xi32>
        %sub3A_215 = arith.subi %add3A_212, %sub3A_214 : vector<16xi32>
        %lt3A_216 = arith.cmpi slt, %sub3A_215, %broadcast_in_dim3A_165 : vector<16xi32>
        %and3A_217 = arith.andi %gt3A, %lt3A_216 : vector<16xi1>
        %add3A_218 = vector.broadcast %mul3A_20 : i32 to vector<16xi32>
        %add3A_219 = arith.addi %add3A_218, %select_n3A_206 : vector<16xi32>
        tpu.vector_store_idx %arg7[%sub3A_215], %add3A_219 masked %and3A_217 : memref<24xi32, #tpu.memory_space<vmem>>[vector<16xi32>], vector<16xi32>, vector<16xi1>
        %all_reduce_population_count3A = tpu.all_reduce %and3A_217 {dim = 0 : i64, kind = #tpu.reduction_kind<sum>} : vector<16xi1> -> vector<16xi32>
        %add3A_220 = arith.addi %while3A_197, %all_reduce_population_count3A : vector<16xi32>
        scf.yield %add3A_220 : vector<16xi32>
      }
      %while3A_179 = arith.constant 0 : i32
      %while3A_180 = arith.subi %select_n3A_135, %while3A_179 : i32
      %while3A_181 = arith.addi %while3A_179, %while3A_180 : i32
      %while3A_182 = arith.constant 1 : i32
      %while3A_183 = arith.divsi %while3A_180, %while3A_182 : i32
      %while3A_184 = arith.muli %while3A_183, %while3A_182 : i32
      %while3A_185 = arith.addi %while3A_179, %while3A_184 : i32
      %while3A_186 = arith.constant 1 : i32
      %while3A_187 = scf.for %while3A_196 = %while3A_179 to %while3A_185 step %while3A_186 iter_args(%while3A_197 = %while3A_178) -> (vector<16xi32>)  : i32 {
        %mul3A_198 = arith.constant 16 : i32
        %mul3A_199 = arith.muli %while3A_196, %mul3A_198 : i32
        %get3A = arith.index_cast %mul3A_199 : i32 to index
        %get3A_200 = tpu.vector_load %arg6[%get3A] {strides = array<i32>} : memref<4096xi32, #tpu.memory_space<vmem>>, vector<16xi32>,
        %mul3A_201 = arith.constant 16 : i32
        %mul3A_202 = arith.muli %while3A_196, %mul3A_201 : i32
        %add3A_203 = vector.broadcast %mul3A_202 : i32 to vector<16xi32>
        %add3A_204 = arith.addi %add3A_203, %iota3A : vector<16xi32>
        %lt3A_205 = arith.cmpi slt, %add3A_204, %broadcast_in_dim3A_136 : vector<16xi32>
        %select_n3A_206 = arith.select %lt3A_205, %get3A_200, %broadcast_in_dim3A_138 : vector<16xi1>, vector<16xi32>
        %broadcast_in_dim3A_207 = vector.broadcast %rem3A_42 : i32 to vector<16xi32>
        %gather3A = tpu.vector_load_idx %arg5[%broadcast_in_dim3A_207, %broadcast_in_dim3A_138, %select_n3A_206] : memref<2x1x4096xf32, #tpu.memory_space<vmem>>[vector<16xi32>, vector<16xi32>, vector<16xi32>], vector<16xf32>,
        %select_n3A_208 = arith.select %lt3A_205, %gather3A, %broadcast_in_dim3A_21 : vector<16xi1>, vector<16xf32>
        %eq3A_209 = arith.cmpf oeq, %select_n3A_208, %broadcast_in_dim3A_159 : vector<16xf32>
        %convert_element_type3A_210 = arith.extui %eq3A_209 : vector<16xi1> to vector<16xi32>
        %broadcast_in_dim3A_211 = arith.constant true
        %broadcast_in_dim3A_212 = vector.broadcast %broadcast_in_dim3A_211 : i1 to vector<16xi1>
        %masked_cumsum3A = tpu.scan <sum>, %convert_element_type3A_210 masked %broadcast_in_dim3A_212 : vector<16xi32>, vector<16xi1> -> vector<16xi32>
        %add3A_213 = arith.addi %while3A_197, %masked_cumsum3A : vector<16xi32>
        %le3A = arith.constant 20 : i32
        %le3A_214 = vector.broadcast %le3A : i32 to vector<16xi32>
        %le3A_215 = arith.cmpi sle, %add3A_213, %le3A_214 : vector<16xi32>
        %and3A_216 = arith.andi %eq3A_209, %le3A_215 : vector<16xi1>
        %sub3A_217 = arith.constant 1 : i32
        %sub3A_218 = vector.broadcast %sub3A_217 : i32 to vector<16xi32>
        %sub3A_219 = arith.subi %add3A_213, %sub3A_218 : vector<16xi32>
        %add3A_220 = vector.broadcast %mul3A_20 : i32 to vector<16xi32>
        %add3A_221 = arith.addi %add3A_220, %select_n3A_206 : vector<16xi32>
        tpu.vector_store_idx %arg7[%sub3A_219], %add3A_221 masked %and3A_216 : memref<24xi32, #tpu.memory_space<vmem>>[vector<16xi32>], vector<16xi32>, vector<16xi1>
        %all_reduce_population_count3A = tpu.all_reduce %and3A_216 {dim = 0 : i64, kind = #tpu.reduction_kind<sum>} : vector<16xi1> -> vector<16xi32>
        %add3A_222 = arith.addi %while3A_197, %all_reduce_population_count3A : vector<16xi32>
        scf.yield %add3A_222 : vector<16xi32>
      }
      %while3A_188 = arith.constant 1 : i32
      %while3A_189 = scf.for %while3A_196 = %while3A_185 to %while3A_181 step %while3A_188 iter_args(%while3A_197 = %while3A_187) -> (vector<16xi32>)  : i32 {
        %mul3A_198 = arith.constant 16 : i32
        %mul3A_199 = arith.muli %while3A_196, %mul3A_198 : i32
        %get3A = arith.index_cast %mul3A_199 : i32 to index
        %get3A_200 = tpu.vector_load %arg6[%get3A] {strides = array<i32>} : memref<4096xi32, #tpu.memory_space<vmem>>, vector<16xi32>,
        %mul3A_201 = arith.constant 16 : i32
        %mul3A_202 = arith.muli %while3A_196, %mul3A_201 : i32
        %add3A_203 = vector.broadcast %mul3A_202 : i32 to vector<16xi32>
        %add3A_204 = arith.addi %add3A_203, %iota3A : vector<16xi32>
        %lt3A_205 = arith.cmpi slt, %add3A_204, %broadcast_in_dim3A_136 : vector<16xi32>
        %select_n3A_206 = arith.select %lt3A_205, %get3A_200, %broadcast_in_dim3A_138 : vector<16xi1>, vector<16xi32>
        %broadcast_in_dim3A_207 = vector.broadcast %rem3A_42 : i32 to vector<16xi32>
        %gather3A = tpu.vector_load_idx %arg5[%broadcast_in_dim3A_207, %broadcast_in_dim3A_138, %select_n3A_206] : memref<2x1x4096xf32, #tpu.memory_space<vmem>>[vector<16xi32>, vector<16xi32>, vector<16xi32>], vector<16xf32>,
        %select_n3A_208 = arith.select %lt3A_205, %gather3A, %broadcast_in_dim3A_21 : vector<16xi1>, vector<16xf32>
        %eq3A_209 = arith.cmpf oeq, %select_n3A_208, %broadcast_in_dim3A_159 : vector<16xf32>
        %convert_element_type3A_210 = arith.extui %eq3A_209 : vector<16xi1> to vector<16xi32>
        %broadcast_in_dim3A_211 = arith.constant true
        %broadcast_in_dim3A_212 = vector.broadcast %broadcast_in_dim3A_211 : i1 to vector<16xi1>
        %masked_cumsum3A = tpu.scan <sum>, %convert_element_type3A_210 masked %broadcast_in_dim3A_212 : vector<16xi32>, vector<16xi1> -> vector<16xi32>
        %add3A_213 = arith.addi %while3A_197, %masked_cumsum3A : vector<16xi32>
        %le3A = arith.constant 20 : i32
        %le3A_214 = vector.broadcast %le3A : i32 to vector<16xi32>
        %le3A_215 = arith.cmpi sle, %add3A_213, %le3A_214 : vector<16xi32>
        %and3A_216 = arith.andi %eq3A_209, %le3A_215 : vector<16xi1>
        %sub3A_217 = arith.constant 1 : i32
        %sub3A_218 = vector.broadcast %sub3A_217 : i32 to vector<16xi32>
        %sub3A_219 = arith.subi %add3A_213, %sub3A_218 : vector<16xi32>
        %add3A_220 = vector.broadcast %mul3A_20 : i32 to vector<16xi32>
        %add3A_221 = arith.addi %add3A_220, %select_n3A_206 : vector<16xi32>
        tpu.vector_store_idx %arg7[%sub3A_219], %add3A_221 masked %and3A_216 : memref<24xi32, #tpu.memory_space<vmem>>[vector<16xi32>], vector<16xi32>, vector<16xi1>
        %all_reduce_population_count3A = tpu.all_reduce %and3A_216 {dim = 0 : i64, kind = #tpu.reduction_kind<sum>} : vector<16xi1> -> vector<16xi32>
        %add3A_222 = arith.addi %while3A_197, %all_reduce_population_count3A : vector<16xi32>
        scf.yield %add3A_222 : vector<16xi32>
      }
      %dma_start3A_190 = arith.constant 0 : i32
      %dma_start3A_191 = arith.constant 0 : i32
      %dma_start3A_192 = tpu.memref_slice %arg3[%dma_start3A_190, %dma_start3A_191] : memref<8192x16xf32, #tpu.memory_space<hbm>> -> memref<8192x16xf32, #tpu.memory_space<hbm>>
      tpu.enqueue_indirect_dma source(%dma_start3A_192 : memref<8192x16xf32, #tpu.memory_space<hbm>>) target(%arg8 : memref<24x16xf32, #tpu.memory_space<vmem>>) offsets(%arg7 : memref<24xi32, #tpu.memory_space<vmem>>) semaphore(%arg10 : memref<!tpu.dma_semaphore, #tpu.memory_space<semaphore_mem>>)
      %dma_wait3A_193 = arith.constant 0 : i32
      %dma_wait3A_194 = arith.constant 0 : i32
      %dma_wait3A_195 = tpu.memref_slice %arg3[%dma_wait3A_193, %dma_wait3A_194] : memref<8192x16xf32, #tpu.memory_space<hbm>> -> memref<8192x16xf32, #tpu.memory_space<hbm>>
      tpu.wait_indirect_dma semaphore(%arg10 : memref<!tpu.dma_semaphore, #tpu.memory_space<semaphore_mem>>) src(%dma_wait3A_195 : memref<8192x16xf32, #tpu.memory_space<hbm>>) dst(%arg8 : memref<24x16xf32, #tpu.memory_space<vmem>>)
      "tpu.region"() ({
        %run_scoped3A = tpu.sem_alloc : memref<!tpu.dma_semaphore, #tpu.memory_space<semaphore_mem>>
        %dma_start3A_196 = arith.constant 0 : i32
        %dma_start3A_197 = arith.constant 0 : i32
        %dma_start3A_198 = tpu.memref_slice %arg4[%add3A_40, %dma_start3A_196, %dma_start3A_197] : memref<8192x24x16xf32, #tpu.memory_space<hbm>> -> memref<1x24x16xf32, #tpu.memory_space<hbm>>
        %dma_start3A_199 = tpu.memref_squeeze %dma_start3A_198 : memref<1x24x16xf32, #tpu.memory_space<hbm>> -> memref<24x16xf32, #tpu.memory_space<hbm>>
        %dma_start3A_200 = arith.constant 0 : i32
        %dma_start3A_201 = arith.constant 0 : i32
        %dma_start3A_202 = tpu.memref_slice %arg4[%add3A_40, %dma_start3A_200, %dma_start3A_201] : memref<8192x24x16xf32, #tpu.memory_space<hbm>> -> memref<1x24x16xf32, #tpu.memory_space<hbm>>
        %dma_start3A_203 = tpu.memref_squeeze %dma_start3A_202 : memref<1x24x16xf32, #tpu.memory_space<hbm>> -> memref<24x16xf32, #tpu.memory_space<hbm>>
        tpu.enqueue_dma source(%arg8 : memref<24x16xf32, #tpu.memory_space<vmem>>) target(%dma_start3A_203 : memref<24x16xf32, #tpu.memory_space<hbm>>) target_semaphore(%run_scoped3A : memref<!tpu.dma_semaphore, #tpu.memory_space<semaphore_mem>>)
        %dma_wait3A_204 = arith.constant 0 : i32
        %dma_wait3A_205 = arith.constant 0 : i32
        %dma_wait3A_206 = tpu.memref_slice %arg4[%add3A_40, %dma_wait3A_204, %dma_wait3A_205] : memref<8192x24x16xf32, #tpu.memory_space<hbm>> -> memref<1x24x16xf32, #tpu.memory_space<hbm>>
        %dma_wait3A_207 = tpu.memref_squeeze %dma_wait3A_206 : memref<1x24x16xf32, #tpu.memory_space<hbm>> -> memref<24x16xf32, #tpu.memory_space<hbm>>
        %dma_wait3A_208 = arith.constant 0 : i32
        %dma_wait3A_209 = arith.constant 0 : i32
        %dma_wait3A_210 = tpu.memref_slice %arg4[%add3A_40, %dma_wait3A_208, %dma_wait3A_209] : memref<8192x24x16xf32, #tpu.memory_space<hbm>> -> memref<1x24x16xf32, #tpu.memory_space<hbm>>
        %dma_wait3A_211 = tpu.memref_squeeze %dma_wait3A_210 : memref<1x24x16xf32, #tpu.memory_space<hbm>> -> memref<24x16xf32, #tpu.memory_space<hbm>>
        tpu.wait_dma2 semaphore(%run_scoped3A : memref<!tpu.dma_semaphore, #tpu.memory_space<semaphore_mem>>) src(%arg8 : memref<24x16xf32, #tpu.memory_space<vmem>>) dst(%dma_wait3A_211 : memref<24x16xf32, #tpu.memory_space<hbm>>)
        tpu.yield
      }) : () -> ()
    }
    %scan3A_38 = arith.constant 256 : i32
    return
  }
}

</mosaic_0001>

<sc_bundles>
// kernel: _sc_topk_gather.3.cloned.1.call-start
scs
__scs_entry_jumppad:
0x0: {  	(pc) =	sbr.rel $0x88, $3  }
0x1: {  	(tag) =	ssettag $0x0;
	lr =	simm.s32 $0x1  }
0x2: {  	[smem:$0x3F9F] =	sst lr;
	_ =	strace $0xD0000000  }
0x3: {  	_ = 	snop  }
0x4: {  	_ = 	snop  }
0x5: {  	_ = 	snop  }
0x6: {  	_ = 	snop  }
0x7: {  	_ = 	snop  }
__scs_overlays_trampoline_lowered:
0x8: {  	[smem:$0x3FAE] =	sst s0  }
0x9: {  	[smem:$0x3FAF] =	sst s1  }
0xa: {  	[smem:$0x3FB0] =	sst s2  }
0xb: {  	[smem:$0x3FB1] =	sst s3  }
0xc: {  	[smem:$0x3FB2] =	sst s4  }
0xd: {  	[smem:$0x3FB3] =	sst s5  }
0xe: {  	[smem:$0x3FB4] =	sst s6  }
0xf: {  	[smem:$0x3FB5] =	sst s7  }
0x10: {  	[smem:$0x3FB6] =	sst s8  }
0x11: {  	[smem:$0x3FB7] =	sst s9;
	s0 =	simm.s32 @!p0 $0x0  }
0x12: {  	s1 =	sld [smem:$0x3F9D];
	s0 =	simm.s32 @p0 $0x1  }
0x13: {  	[smem:$0x3FB8] =	sst s0;
	s0 =	simm.s32 @!p1 $0x0  }
0x14: {  	s2 =	sld [smem:$0x3F9C];
	s0 =	simm.s32 @p1 $0x1  }
0x15: {  	[smem:$0x3FB9] =	sst s0;
	s0 =	simm.s32 @!p2 $0x0  }
0x16: {  	s3 =	sld [smem:$0x3FDB];
	s0 =	simm.s32 @p2 $0x1  }
0x17: {  	s4 =	simm.s32 $0x1BF5;
	[smem:$0x3FBB] =	sst s0  }
0x18: {  	s0 =	sld [smem:$0x3F9E];
	_ =	swait.ge [sflag:s4], $0x0  }
0x19: {  	s7 =	sld [smem:$0x3F9F]  }
0x1a: {  	s8 =	sadd.s32 $0xFFFFE003, lr  }
0x1b: {  	s9 =	sadd.s32 $0xFFFFFEF7, lr;
	s5 =	simm.s32 $0xFFFFFFFF;
	p2 =	slt.u32 s8, $0xFFFFF086  }
0x1c: {  	p1 =	slt.u32 s9, $0xF7A;
	s5 =	simm.s32 @!p2 $0x0  }
0x1d: {  	s5 =	simm.s32 @p1 $0x1;
	p0 =	seq.s32 s7, s2  }
0x1e: {  	s7 =	smul.u32 @!p0 $0xF7A, s2;
	p2 =	seq.s32 @!p0 s5, $0x0  }
0x1f: {  	s9 =	smul.u32 $0xF7A, s1;
	s8 =	simm.s32 @!p0 $0x1BF5;
	p2 =	por !p2, p0  }
0x20: {  	[sflag:s8] =	ssyncset.s32 @!p0 $0xFFFFF086;
	s6 =	sadd.s32 @!p0 s3, s7;
	s7 =	simm.s32 @!p0 $0x108  }
0x21: {  	s3 =	sadd.s32 s3, s9;
	s6 =	sadd.s32 @!p0 $0x88, s6;
	s7 =	simm.s32 @p2 $0x1082  }
0x22: {  	[simem:s7], [sflag:s8] =	dma.local @!p0 [hbm:s6], $0xF7A  }
0x23: {  	s9 =	sor.u32 $0xD0000000, s2;
	s6 =	simm.s32 $0x108;
	_ =	swait.ge @!p0 [sflag:s8], $0x0  }
0x24: {  	s3 =	sadd.s32 $0x88, s3;
	s6 =	simm.s32 @!p1 $0x1082;
	[sflag:s4] =	ssyncset.s32 $0xFFFFF086  }
0x25: {  	[simem:s6], [sflag:s4] =	dma.local [hbm:s3], $0xF7A  }
0x26: {  	[smem:$0x3F9F] =	sst s1;
	(tag) =	ssettag s2;
	_ =	strace s9  }
0x27: {  	s1 =	sld [smem:$0x3FAF]  }
0x28: {  	s2 =	sld [smem:$0x3FB0]  }
0x29: {  	s4 =	sld [smem:$0x3FB2]  }
0x2a: {  	p0 =	seq.s32 s5, $0x0;
	s5 =	sld [smem:$0x3FB3]  }
0x2b: {  	s6 =	sld [smem:$0x3FB4]  }
0x2c: {  	s7 =	sld [smem:$0x3FB5]  }
0x2d: {  	s3 =	simm.s32 $0x108;
	s8 =	sld [smem:$0x3FB6]  }
0x2e: {  	s3 =	simm.s32 @!p0 $0x1082;
	s9 =	sld [smem:$0x3FB7]  }
0x2f: {  	lr =	sadd.s32 s0, s3;
	s0 =	sld [smem:$0x3FAE]  }
0x30: {  	s3 =	sld [smem:$0x3FB1]  }
0x31: {  	[smem:$0x3FBA] =	sst s10  }
0x32: {  	s10 =	sld [smem:$0x3FB8];
	_ =	sdelay $0x3  }
0x33: {  	p0 =	seq.s32 s10, $0x1;
	s10 =	sld [smem:$0x3FBA];
	_ =	sdelay $0x3  }
0x34: {  	[smem:$0x3FBA] =	sst s10  }
0x35: {  	s10 =	sld [smem:$0x3FB9];
	_ =	sdelay $0x3  }
0x36: {  	p1 =	seq.s32 s10, $0x1;
	s10 =	sld [smem:$0x3FBA];
	_ =	sdelay $0x3  }
0x37: {  	[smem:$0x3FBA] =	sst s10  }
0x38: {  	s10 =	sld [smem:$0x3FBB]  }
0x39: {  	_ = 	snop;
	(pc) =	sbr.ind lr, $3  }
0x3a: {  	_ = 	snop  }
0x3b: {  	_ = 	snop  }
0x3c: {  	p2 =	seq.s32 s10, $0x1;
	s10 =	sld [smem:$0x3FBA]  }
0x3d: {  	_ =	shalt  }
0x3e: {  	_ =	shalt  }
0x3f: {  	_ =	shalt  }
0x40: {  	_ =	shalt  }
0x41: {  	_ =	shalt  }
0x42: {  	_ =	shalt  }
0x43: {  	_ =	shalt  }
0x44: {  	_ =	shalt  }
0x45: {  	_ =	shalt  }
0x46: {  	_ =	shalt  }
0x47: {  	_ =	shalt  }
0x48: {  	_ =	shalt  }
0x49: {  	_ =	shalt  }
0x4a: {  	_ =	shalt  }
0x4b: {  	_ =	shalt  }
0x4c: {  	_ =	shalt  }
0x4d: {  	_ =	shalt  }
0x4e: {  	_ =	shalt  }
0x4f: {  	_ =	shalt  }
0x50: {  	_ =	shalt  }
0x51: {  	_ =	shalt  }
0x52: {  	_ =	shalt  }
0x53: {  	_ =	shalt  }
0x54: {  	_ =	shalt  }
0x55: {  	_ =	shalt  }
0x56: {  	_ =	shalt  }
0x57: {  	_ =	shalt  }
0x58: {  	_ =	shalt  }
0x59: {  	_ =	shalt  }
0x5a: {  	_ =	shalt  }
0x5b: {  	_ =	shalt  }
0x5c: {  	_ =	shalt  }
0x5d: {  	_ =	shalt  }
0x5e: {  	_ =	shalt  }
0x5f: {  	_ =	shalt  }
0x60: {  	_ =	shalt  }
0x61: {  	_ =	shalt  }
0x62: {  	_ =	shalt  }
0x63: {  	_ =	shalt  }
0x64: {  	_ =	shalt  }
0x65: {  	_ =	shalt  }
0x66: {  	_ =	shalt  }
0x67: {  	_ =	shalt  }
0x68: {  	_ =	shalt  }
0x69: {  	_ =	shalt  }
0x6a: {  	_ =	shalt  }
0x6b: {  	_ =	shalt  }
0x6c: {  	_ =	shalt  }
0x6d: {  	_ =	shalt  }
0x6e: {  	_ =	shalt  }
0x6f: {  	_ =	shalt  }
0x70: {  	_ =	shalt  }
0x71: {  	_ =	shalt  }
0x72: {  	_ =	shalt  }
0x73: {  	_ =	shalt  }
0x74: {  	_ =	shalt  }
0x75: {  	_ =	shalt  }
0x76: {  	_ =	shalt  }
0x77: {  	_ =	shalt  }
0x78: {  	_ =	shalt  }
0x79: {  	_ =	shalt  }
0x7a: {  	_ =	shalt  }
0x7b: {  	_ =	shalt  }
0x7c: {  	_ =	shalt  }
0x7d: {  	_ =	shalt  }
0x7e: {  	_ =	shalt  }
0x7f: {  	_ =	shalt  }
0x80: {  	_ =	shalt  }
0x81: {  	_ =	shalt  }
0x82: {  	_ =	shalt  }
0x83: {  	_ =	shalt  }
0x84: {  	_ =	shalt  }
0x85: {  	_ =	shalt  }
0x86: {  	_ =	shalt  }
0x87: {  	_ =	shalt  }
.Lfunc_end0:
.L_simem_size_0:
called_computation.1_lowered:
.L_overlay_start_0:
0x88: {  	s2 =	sld [smem:$0x3FD9]  }
0x89: {  	s3 =	sld [smem:$0x3FFE];
	_ =	sdelay $0x1  }
0x8a: {  	s1 =	srdreg.scid  }
0x8b: {  	s0 =	sand.u32 $0x1, s1  }
0x8c: {  	s17 =	sshll.u32 s0, $0xA;
	s2 =	sadd.s32 s3, s2  }
0x8d: {  	s2 =	sadd.s32 s2, s17  }
0x8e: {  	[smem:$0x3FC6] =	sst s2  }
0x8f: {  	_ = 	snop  }
0x90: {  	s2 =	sld [smem:$0x3FD0];
	(tm) =	ssettm $0x1  }
0x91: {  	s18 =	sld [smem:$0x3FFB];
	_ =	sdelay $0x3  }
0x92: {  	_ =	strace s18  }
0x93: {  	s3 =	sld [smem:$0x3FFC];
	_ =	sdelay $0x3  }
0x94: {  	_ =	strace s3  }
0x95: {  	s3 =	sld [smem:$0x3FFD];
	_ =	sdelay $0x3  }
0x96: {  	_ =	strace s3  }
0x97: {  	_ =	strace $0x8FFFFFFF  }
0x98: {  	s19 =	sld [smem:$0x3FDB];
	_ =	sdelay $0x1  }
0x99: {  	s4 =	simm.s32 $_scs_section_size  }
0x9a: {  	s5 =	simm.s32 $_size__tile_overlayer_lowered;
	s6 =	simm.s32 $_tile_overlayer_lowered  }
0x9b: {  	s22 =	simm.s32 $0x1BFF;
	s21 =	sshll.u32 s6, $0x1;
	s3 =	sadd.s32 s4, s19  }
0x9c: {  	s7 =	simm.s32 $0x0;
	s20 =	sshll.u32 s5, $0x1;
	s5 =	sadd.s32 s21, s3  }
0x9d: {  	[timem:s7], [sflag:s22] =	dma.local [hbm:s5], s20  }
0x9e: {  	_ =	swait.ge [sflag:s22], s20  }
0x9f: {  	s4 =	ssub.s32 $0x0, s20;
	[sflag:s22] =	ssyncset.done $0x0  }
0xa0: {  	[sflag:s22] =	ssyncadd.s32 s4;
	_ =	sdelay $0x1  }
0xa1: {  	s23 =	simm.s32 $0x1B8B  }
0xa2: {  	_ =	swait.ge [sflag:s23], $0x1  }
0xa3: {  	[sflag:s23] =	ssyncset.done $0x0  }
0xa4: {  	s25 =	simm.s32 $0x1B8E;
	s24 =	sld [smem:$0x3FFE];
	[sflag:s23] =	ssyncadd.s32 $0xFFFFFFFF  }
0xa5: {  	s26 =	simm.s32 $execute0_lowered;
	[smem:$0x3FD2] =	sst s25  }
0xa6: {  	s5 =	sshll.u32 s26, $0x1;
	_ =	strace $0x80000049;
	[dreg:$0x1] =	wrdreg $0xFFFFFFFF  }
0xa7: {  	s28 =	simm.s32 $_size_execute0_lowered;
	s3 =	sadd.s32 s3, s5;
	[dreg:$0x0] =	wrdreg $0x0  }
0xa8: {  	s5 =	sshll.u32 s28, $0x1;
	[dreg:$0x2] =	wrdreg s3  }
0xa9: {  	[dreg:$0x3] =	wrdreg s5  }
0xaa: {  	[dreg:$0x4] =	wrdreg $0xC0  }
0xab: {  	_ =	task [dreg:s7], $0x5FFFF  }
0xac: {  	[dreg:$0x1] =	wrdreg $0xFFFFFFFF  }
0xad: {  	[dreg:$0x0] =	wrdreg $0x60  }
0xae: {  	[dreg:$0x2] =	wrdreg s24  }
0xaf: {  	[dreg:$0x3] =	wrdreg s2  }
0xb0: {  	[dreg:$0x4] =	wrdreg $0x9  }
0xb1: {  	_ =	task.clear_ibuf [dreg:s7], $0x5FFFF;
	_ =	strace $0x90000049  }
0xb2: {  	s29 =	simm.s32 $0x9;
	_ =	strace $0x8000004B  }
0xb3: {  	_ =	swait.ge [sflag:s29], $0x1  }
0xb4: {  	[sflag:s29] =	ssyncadd.s32 $0xFFFFFFFF  }
0xb5: {  	_ =	strace $0x9000004B  }
0xb6: {  	_ =	sfence  }
0xb7: {  	s30 =	sld [smem:$0x0];
	_ =	sdelay $0x2  }
0xb8: {  	s31 =	sshll.u32 s1, $0xD;
	s1 =	sshrl.u32 s1, $0x2  }
0xb9: {  	s3 =	sand.u32 $0x4000, s31;
	s1 =	sadd.s32 s1, s30  }
0xba: {  	s0 =	sor.u32 s3, s0;
	s1 =	sshll.u32 s1, $0x11  }
0xbb: {  	s0 =	sor.u32 s1, s0  }
0xbc: {  	s0 =	sadd.s32 $0x8F2B, s0  }
0xbd: {  	[sflag:s0] =	ssyncadd.remote.s32 $0x1  }
0xbe: {  	_ =	sfence.sel $0xFFFF  }
0xbf: {  	[dreg:$0x0] =	wrdreg $0xFFFFFFFF;
	(pc) =	sbr.abs _section_cstart, $3  }
0xc0: {  	[dreg:$0x1] =	wrdreg $0xFFFFFFFF  }
0xc1: {  	_ =	task.clear_ibuf [dreg:s7], $0x2FFFF;
	_ =	strace $0x9FFFFFFF  }
0xc2: {  	(tm) =	ssettm $0x7FFFFFFF  }
0xc3: {  	_ =	shalt  }
tec
execute0_lowered:
.L_overlay_start_1:
0x0: {  	(tag) =	ssettag $0x1  }
0x1: {  	s7 =	rddreg [dreg:$0x0]  }
0x2: {  	s2 =	rddreg [dreg:$0x1]  }
0x3: {  	s3 =	srdreg.scid;
	s0 =	rddreg [dreg:$0x2]  }
0x4: {  	s1 =	stileid.u32;
	s12 =	simm.s32 $0x18;
	s13 =	simm.s32 $0x3018  }
0x5: {  	s14 =	simm.s32 $0x2;
	s15 =	simm.s32 $0x3;
	s16 =	simm.s32 $0x0  }
0x6: {  	s5 =	sand.u32 $0x1, s3;
	s3 =	simm.s32 $0x0;
	s6 =	sshll.u32 s1, $0x9  }
0x7: {  	s4 =	sshll.u32 s5, $0x8;
	[smem:$0x7FF] =	sst s3;
	s8 =	ssub.s32 $0x2, s5  }
.Ltmp0:
0x8: {  	s5 =	sadd.s32 $0x400A00, s7;
	s11 =	sand.u32 $0x1000, s6;
	(pc) =	sbr.rel .LBB2_1-.Ltmp0, $4  }
0x9: {  	v0 =	vlaneseq.u32;
	s4 =	sor.u32 s4, s6;
	_ =	strace $0x8000004A;
	s9 =	sshrl.u32 s8, $0x1  }
0xa: {  	v2 =	vmul.u32 $0xFFFFFFFF, v0;
	v1 =	vmov s11;
	s11 =	simm.s32 $0x3000;
	s31 =	sshll.u32 s4, $0x9;
	s8 =	ssub.s32 s8, s9  }
0xb: {  	s9 =	simm.s32 $0x1;
	s10 =	sadd.s32 s31, s7;
	s7 =	sadd.s32 $0xC00, s7  }
0xc: {  	vm0 =	vcmask $0xB10;
	v3 =	vimm.s32 $0x0;
	v2 =	vadd.s32 $0xF, v2;
	s8 =	smax.u32 s8, $0x1;
	s6 =	sadd.s32 $0xA00, s10;
	s10 =	simm.s32 $0x2000  }
.LBB2_21:
0xd: {  	s16 =	sadd.s32 $0x1, s16  }
0xe: {  	p0 =	sne.s32 s16, s8  }
.Ltmp1:
0xf: {  	_ = 	snop;
	(pc) =	sbr.rel @!p0 .LBB2_22-.Ltmp1, $1  }
0x10: {  	_ =	sdelay $0x3  }
.LBB2_1:
.Ltmp2:
0x11: {  	(pc) =	sbr.rel .LBB2_2-.Ltmp2, $3  }
0x12: {  	_ =	sdelay $0x1  }
0x13: {  	[tilespmem:s3], [sflag:$0x1] =	stream.linear.gather [hbm4b:s6+s3], $0x1000, $0x38;
	[tilespmem:$0x3198] =	vst v63  }
0x14: {  	p0 =	por $0x0, $0x0;
	s18 =	simm.s32 $0x0  }
.LBB2_19:
0x15: {  	v4 =	vmov s17  }
0x16: {  	[tilespmem:$0x3000] =	vst v4  }
0x17: {  	[tilespmem:$0x3008] =	vst v4  }
.LBB2_20:
0x18: {  	[tilespmem:s13], [sflag:$0x2] =	stream.indirect.gather [hbm4b:s5+s12], $0x10, s11, s12, $0xb8;
	[tilespmem:$0x3198] =	vst v63  }
0x19: {  	s17 =	smul.u32 $0x30, s17;
	_ =	swait.ge [sflag:s14], $0x180  }
0x1a: {  	p1 =	sne.s32 s18, $0x100;
	[sflag:s14] =	ssyncset.done $0x0  }
.Ltmp3:
0x1b: {  	s17 =	sadd.s32 s2, s17;
	[sflag:s14] =	ssyncadd.s32 $0xFFFFFE80;
	(pc) =	sbr.rel @!p1 .LBB2_21-.Ltmp3, $4  }
0x1c: {  	[hbm4b:s17+s3] =	stream.linear.scatter [tilespmem:s13], [sflag:$0x3], $0x180, $0x38;
	[tilespmem:$0x3198] =	vst v63  }
0x1d: {  	_ =	swait.ge [sflag:s15], $0x180  }
0x1e: {  	[sflag:s15] =	ssyncset.done $0x0  }
0x1f: {  	p0 =	por !p0, !p0;
	[sflag:s15] =	ssyncadd.s32 $0xFFFFFE80  }
.LBB2_2:
0x20: {  	s17 =	simm.s32 $0x1  }
0x21: {  	s17 =	simm.s32 @!p0 $0x0  }
0x22: {  	s19 =	sshll.u32 s17, $0xC  }
0x23: {  	_ =	swait.ge [sflag:s9], $0x1000;
	s20 =	sand.u32 $0x1, s18;
	p1 =	seq.s32 s18, $0xFF;
	v5 =	vmov s19  }
0x24: {  	s31 =	simm.s32 $0x0;
	[sflag:s9] =	ssyncset.done $0x0;
	s17 =	sor.u32 s4, s18  }
0x25: {  	s22 =	sshll.u32 @!p1 s20, $0xC;
	s23 =	simm.s32 @!p1 $0x0;
	s21 =	sshll.u32 @!p1 s17, $0x9  }
0x26: {  	[sflag:s9] =	ssyncadd.s32 $0xFFFFF000;
	s22 =	sxor.u32 @!p1 $0x1000, s22;
	s21 =	sadd.s32 @!p1 s21, s7  }
0x27: {  	[tilespmem:s22], [sflag:$0x1] =	stream.linear.gather @!p1 [hbm4b:s21+s23], $0x1000, $0x38;
	[tilespmem:$0x3198] =	vst v63  }
0x28: {  	v4 =	vimm.f32 $-Inf;
	v6 =	vimm.f32 $-Inf;
	s18 =	sadd.s32 $0x1, s18;
	s21 =	sor.u32 $0x800, s19;
	s22 =	simm.s32 $0x40;
	v7 =	vld.idx.msk [tilespmem:v5+s31+$0x0 ss:$0x1], $0xffff  }
.LBB2_3:
0x29: {  	p1 =	sne.s32 s22, $0x1FC0  }
.Ltmp4:
0x2a: {  	_ = 	snop;
	(pc) =	sbr.rel @p1 .LBB2_3-.Ltmp4, $3  }
0x2b: {  	_ =	sdelay $0x1  }
0x2c: {  	s23 =	sshra.s32 s22, $0x2;
	s22 =	sadd.s32 $0x40, s22  }
0x2d: {  	v6 =	vmax.f32 v6, v7;
	v7 =	vld.idx.msk [tilespmem:v5+s23+$0x0 ss:$0x1], $0xffff  }
0x2e: {  	_ =	sdelay $0x2  }
0x2f: {  	s23 =	sadd.s32 $0x0, s21  }
0x30: {  	s22 =	simm.s32 $0x40;
	v5 =	vmax.f32 v6, v7;
	v6 =	vld [tilespmem:s23+$0x0]  }
.LBB2_5:
0x31: {  	p1 =	sne.s32 s22, $0x1FC0  }
.Ltmp5:
0x32: {  	_ = 	snop;
	(pc) =	sbr.rel @p1 .LBB2_5-.Ltmp5, $4  }
0x33: {  	_ = 	snop  }
0x34: {  	s23 =	sshra.s32 s22, $0x2;
	s22 =	sadd.s32 $0x40, s22  }
0x35: {  	s23 =	sadd.s32 s23, s21;
	v4 =	vmax.f32 v4, v6  }
0x36: {  	v6 =	vld [tilespmem:s23+$0x0]  }
0x37: {  	_ =	sdelay $0x3  }
0x38: {  	(xrf1) =	vsort.dscd.msk.f32 $0xffff, v5, v0;
	v4 =	vmax.f32 v4, v6  }
0x39: {  	(xrf1) =	vsort.dscd.msk.f32 $0xffff, v4, v0;
	_ =	sdelay $0xc  }
0x3a: {  	v4, _, _ =	vpop (xrf1)  }
0x3b: {  	v5, _, _ =	vpop (xrf1)  }
0x3c: {  	v5 =	vperm.xlane v5, v2;
	_ =	sdelay $0x1  }
0x3d: {  	v4 =	vmin.f32 v4, v5  }
0x3e: {  	(xrf1) =	vsort.dscd.msk.f32 $0xffff, v4, v0;
	_ =	sdelay $0xd  }
0x3f: {  	v4, _, _ =	vpop (xrf1)  }
0x40: {  	v4 =	vsel vm0, $0xFF800000, v4  }
0x41: {  	(xrf0) =	vmax.scan.msk.f32 $0xffff, v4;
	_ =	sdelay $0x5  }
0x42: {  	v4, _, _ =	vpop (xrf0)  }
0x43: {  	s21 =	simm.s32 $0x0;
	v7 =	vld [tilespmem:s19+$0x0];
	s22 =	simm.s32 $0x10;
	v5 =	vimm.s32 $0x0;
	v6 =	vbroadcast v4, $0xF;
	v4 =	vimm.s32 $0x0  }
.LBB2_7:
0x44: {  	p1 =	sne.s32 s22, $0xFF0;
	_ =	sdelay $0x3  }
0x45: {  	vm1 =	vge.f32 v7, v6  }
0x46: {  	v7 =	vsel vm1, $0x1, v3;
	v8 =	vmpcnt.ones.xlane vm1  }
0x47: {  	(xrf0) =	vadd.scan.msk.s32 $0xffff, v7  }
0x48: {  	v5 =	vadd.s32 v5, v8;
	_ =	sdelay $0x4  }
0x49: {  	v7, _, _ =	vpop (xrf0)  }
0x4a: {  	v7 =	vadd.s32 v7, v4;
	v4 =	vmov v5  }
0x4b: {  	v7 =	vadd.s32 $0xFFFFFFFF, v7;
	_ =	sdelay $0x1  }
.Ltmp6:
0x4c: {  	(pc) =	sbr.rel @p1 .LBB2_7-.Ltmp6, $4  }
0x4d: {  	_ = 	snop  }
0x4e: {  	v8 =	vor.u32 s21, v0;
	s21 =	smov.u32 s22  }
0x4f: {  	s19 =	sadd.s32 $0x10, s19;
	[tilespmem:v7+s10+$0x0] =	vst.idx.msk vm1, v8  }
0x50: {  	s22 =	sadd.s32 $0x10, s22;
	v7 =	vld [tilespmem:s19+$0x0]  }
0x51: {  	_ =	sdelay $0x3  }
0x52: {  	vm1 =	vge.f32 v7, v6  }
0x53: {  	v6 =	vmpcnt.ones.xlane vm1;
	_ =	sdelay $0x1  }
0x54: {  	v7 =	vsel vm1, $0x1, v3;
	v5 =	vadd.s32 v5, v6  }
0x55: {  	(xrf0) =	vadd.scan.msk.s32 $0xffff, v7;
	v5 =	vxor.u32 $0x80000000, v5  }
0x56: {  	(xrf0) =	vmax.scan.msk.u32 $0xffff, v5;
	_ =	sdelay $0x4  }
0x57: {  	v5, _, _ =	vpop (xrf0)  }
0x58: {  	v63, _, _ =	vpop (xrf0)  }
0x59: {  	(v2sf) =	vpush v63, $0xF;
	_ =	sdelay $0xe  }
0x5a: {  	s22 =	spop (v2sf)  }
0x5b: {  	s19 =	sadd.s32 $0x8000000F, s22  }
0x5c: {  	s23 =	sand.u32 $0xF, s19  }
0x5d: {  	s31 =	sshra.s32 s19, $0x1F;
	p2 =	slt.s32 s19, $0x1;
	p1 =	sne.s32 s23, $0x0  }
0x5e: {  	s23 =	sshrl.u32 s31, $0x1C;
	p1 =	por !p2, !p1  }
0x5f: {  	s19 =	sadd.s32 s23, s19;
	s23 =	simm.s32 $0x1;
	p1 =	por !p1, !p1  }
0x60: {  	s19 =	sshra.s32 s19, $0x4;
	s23 =	simm.s32 @!p1 $0x0  }
0x61: {  	v4 =	vadd.s32 v5, v4;
	s19 =	ssub.s32 s19, s23  }
0x62: {  	v4 =	vadd.s32 $0xFFFFFFFF, v4;
	p1 =	slt.s32 s19, $0x1  }
.Ltmp7:
0x63: {  	_ = 	snop;
	(pc) =	sbr.rel @p1 .LBB2_19-.Ltmp7, $3  }
0x64: {  	_ =	sdelay $0x1  }
0x65: {  	v5 =	vor.u32 s21, v0  }
0x66: {  	[tilespmem:v4+s10+$0x0] =	vst.idx.msk vm1, v5  }
0x67: {  	p3 =	sne.s32 s19, $0x1  }
.Ltmp8:
0x68: {  	_ = 	snop;
	(pc) =	sbr.rel @!p3 .LBB2_10-.Ltmp8, $4  }
0x69: {  	_ = 	snop  }
0x6a: {  	s22 =	sxor.u32 $0x80000000, s22  }
0x6b: {  	s23 =	sshll.u32 s20, $0xC;
	s20 =	simm.s32 $0x2000;
	s21 =	simm.s32 $0x0  }
0x6c: {  	v6 =	vimm.f32 $-Inf;
	p1 =	por $0x0, $0x0;
	p2 =	por $0x0, $0x0;
	v4 =	vmov s22;
	v5 =	vmov s23;
	v7 =	vld [tilespmem:s20+$0x0];
	s22 =	sadd.s32 $0xFFFFFFFF, s19  }
0x6d: {  	_ =	sdelay $0x1  }
0x6e: {  	v8 =	vor.u32 s21, v0  }
0x6f: {  	vm1 =	vlt.s32 v8, v4  }
0x70: {  	v7 =	vnsel vm1, $0x0, v7  }
0x71: {  	v8 =	vand.u32 $0xFFFFFFF8, v7  }
0x72: {  	v7 =	vand.u32 $0x7, v7;
	v8 =	vadd.s32 v5, v8  }
0x73: {  	v7 =	vor.u32 v7, v8;
	_ =	sdelay $0x4  }
0x74: {  	v7 =	vld.idx.msk [tilespmem:v7+s3+$0x0], $0xffff;
	_ =	sdelay $0x4  }
0x75: {  	v7 =	vnsel vm1, $0xFF800000, v7  }
0x76: {  	(xrf1) =	vsort.dscd.msk.f32 $0xffff, v7, v0;
	_ =	sdelay $0x8  }
0x77: {  	p3 =	sne.s32 s22, $0x1  }
.Ltmp9:
0x78: {  	_ = 	snop;
	(pc) =	sbr.rel @!p3 .LBB2_12-.Ltmp9, $3  }
0x79: {  	_ =	sdelay $0x1  }
0x7a: {  	s23 =	simm.s32 $0x2010  }
0x7b: {  	s24 =	sadd.s32 $0xFFFFFFFF, s22;
	p1 =	por $0x1, $0x1;
	v7 =	vld [tilespmem:s23+$0x0];
	v10, _, _ =	vpop (xrf1)  }
0x7c: {  	_ = 	snop  }
0x7d: {  	s22 =	simm.s32 $0x10  }
0x7e: {  	v8 =	vor.u32 s22, v0  }
0x7f: {  	vm1 =	vlt.s32 v8, v4  }
0x80: {  	v7 =	vnsel vm1, $0x0, v7  }
0x81: {  	v8 =	vand.u32 $0xFFFFFFF8, v7  }
0x82: {  	v7 =	vand.u32 $0x7, v7;
	v8 =	vadd.s32 v5, v8  }
0x83: {  	v7 =	vor.u32 v7, v8;
	v8 =	vperm.xlane v10, v2;
	_ =	sdelay $0x1  }
0x84: {  	v8 =	vmax.f32 v6, v8  }
0x85: {  	(xrf1) =	vsort.dscd.msk.f32 $0xffff, v8, v0;
	_ =	sdelay $0x5  }
0x86: {  	v7 =	vld.idx.msk [tilespmem:v7+s3+$0x0], $0xffff;
	_ =	sdelay $0x4  }
0x87: {  	v7 =	vnsel vm1, $0xFF800000, v7;
	_ =	sdelay $0x2  }
0x88: {  	(xrf1) =	vsort.dscd.msk.f32 $0xffff, v7, v0;
	v7, _, _ =	vpop (xrf1)  }
0x89: {  	v8 =	vperm.xlane v7, v2;
	_ =	sdelay $0x1  }
0x8a: {  	v7 =	vmin.f32 v6, v8  }
0x8b: {  	(xrf1) =	vsort.dscd.msk.f32 $0xffff, v7, v0;
	_ =	sdelay $0x6  }
0x8c: {  	p3 =	sne.s32 s24, $0x1  }
.Ltmp10:
0x8d: {  	_ = 	snop;
	(pc) =	sbr.rel @!p3 .LBB2_14-.Ltmp10, $3  }
0x8e: {  	_ =	sdelay $0x1  }
0x8f: {  	s23 =	simm.s32 $0x2020  }
0x90: {  	s24 =	sadd.s32 $0xFFFFFFFF, s24;
	p2 =	por $0x1, $0x1;
	v9 =	vimm.f32 $-Inf;
	v7 =	vld [tilespmem:s23+$0x0];
	v10, _, _ =	vpop (xrf1)  }
.LBB2_15:
0x91: {  	p3 =	sne.s32 s24, $0x1;
	v10 =	vperm.xlane v10, v2  }
0x92: {  	s22 =	sadd.s32 $0x10, s22;
	v11, _, _ =	vpop (xrf1)  }
0x93: {  	v12 =	vor.u32 s22, v0;
	v10 =	vmax.f32 v11, v10  }
0x94: {  	vm1 =	vlt.s32 v12, v4;
	(xrf1) =	vsort.dscd.msk.f32 $0xffff, v10, v0  }
0x95: {  	v8 =	vmax.f32 v9, v8;
	v7 =	vnsel vm1, $0x0, v7  }
0x96: {  	v9 =	vand.u32 $0xFFFFFFF8, v7;
	(xrf1) =	vsort.dscd.msk.f32 $0xffff, v8, v0  }
0x97: {  	v7 =	vand.u32 $0x7, v7;
	v8 =	vadd.s32 v5, v9  }
0x98: {  	v7 =	vor.u32 v7, v8;
	_ =	sdelay $0x4  }
0x99: {  	v7 =	vld.idx.msk [tilespmem:v7+s3+$0x0], $0xffff;
	_ =	sdelay $0x4  }
0x9a: {  	v8, _, _ =	vpop (xrf1)  }
0x9b: {  	v7 =	vnsel vm1, $0xFF800000, v7;
	v8 =	vperm.xlane v8, v2  }
0x9c: {  	(xrf1) =	vsort.dscd.msk.f32 $0xffff, v7, v0;
	v9, _, _ =	vpop (xrf1)  }
0x9d: {  	v7 =	vmin.f32 v9, v8  }
0x9e: {  	(xrf1) =	vsort.dscd.msk.f32 $0xffff, v7, v0;
	_ =	sdelay $0x7  }
.Ltmp11:
0x9f: {  	(pc) =	sbr.rel @p3 .LBB2_15-.Ltmp11, $3  }
0xa0: {  	_ =	sdelay $0x1  }
0xa1: {  	s23 =	sadd.s32 $0x10, s23  }
0xa2: {  	s24 =	sadd.s32 $0xFFFFFFFF, s24;
	v7 =	vld [tilespmem:s23+$0x0];
	v10, _, _ =	vpop (xrf1)  }
.LBB2_16:
0xa3: {  	_ = 	snop  }
0xa4: {  	v10 =	vperm.xlane @p1 v10, v2;
	v11, _, _ =	vpop @p2 (xrf1)  }
0xa5: {  	v11 =	vpsel p2, v11, v6  }
0xa6: {  	s22 =	sadd.s32 @p1 $0x10, s22;
	s23 =	simm.s32 $0x0;
	v10 =	vmax.f32 @p1 v11, v10  }
0xa7: {  	v8 =	vmax.f32 @p2 v9, v8;
	s23 =	smov.u32 @p1 s22;
	(xrf1) =	vsort.dscd.msk.f32 @p1 $0xffff, v10, v0  }
0xa8: {  	v63 =	vor.u32 s23, v0;
	(xrf1) =	vsort.dscd.msk.f32 @p2 $0xffff, v8, v0  }
0xa9: {  	vm1 =	vlt.s32 v63, v4  }
0xaa: {  	v7 =	vnsel vm1, $0x0, v7  }
0xab: {  	v8 =	vand.u32 $0xFFFFFFF8, v7  }
0xac: {  	v7 =	vand.u32 $0x7, v7;
	v8 =	vadd.s32 v5, v8  }
0xad: {  	v7 =	vor.u32 v7, v8;
	_ =	sdelay $0x4  }
0xae: {  	v7 =	vld.idx.msk [tilespmem:v7+s3+$0x0], $0xffff;
	_ =	sdelay $0x2  }
0xaf: {  	v8, _, _ =	vpop @p1 (xrf1)  }
0xb0: {  	v8 =	vperm.xlane @p1 v8, v2;
	v9, _, _ =	vpop @p2 (xrf1)  }
0xb1: {  	v7 =	vnsel vm1, $0xFF800000, v7;
	v9 =	vpsel p2, v9, v6  }
0xb2: {  	(xrf1) =	vsort.dscd.msk.f32 $0xffff, v7, v0;
	v7 =	vmin.f32 @p1 v9, v8  }
0xb3: {  	(xrf1) =	vsort.dscd.msk.f32 @p1 $0xffff, v7, v0;
	_ =	sdelay $0xc  }
0xb4: {  	v7, _, _ =	vpop (xrf1)  }
0xb5: {  	v7 =	vperm.xlane v7, v2;
	v10, _, _ =	vpop @p1 (xrf1)  }
0xb6: {  	v10 =	vpsel p1, v10, v6  }
0xb7: {  	v8 =	vpsel p1, v8, v0;
	v7 =	vmax.f32 v10, v7  }
0xb8: {  	(xrf1) =	vsort.dscd.msk.f32 $0xffff, v7, v0;
	v7 =	vmax.f32 @p1 v9, v8  }
0xb9: {  	(xrf1) =	vsort.dscd.msk.f32 @p1 $0xffff, v7, v0;
	_ =	sdelay $0xc  }
0xba: {  	v7, _, _ =	vpop (xrf1)  }
0xbb: {  	v7 =	vperm.xlane v7, v2;
	v8, _, _ =	vpop @p1 (xrf1)  }
0xbc: {  	v6 =	vpsel p1, v8, v6  }
0xbd: {  	v8 =	vmin.f32 v6, v7  }
0xbe: {  	(xrf1) =	vsort.dscd.msk.f32 $0xffff, v8, v0;
	_ =	sdelay $0x7  }
0xbf: {  	v6 =	vmax.f32 v6, v7  }
0xc0: {  	(xrf1) =	vsort.dscd.msk.f32 $0xffff, v6, v0;
	_ =	sdelay $0x4  }
0xc1: {  	v6, _, _ =	vpop (xrf1)  }
0xc2: {  	v6 =	vsel vm0, $0xFF800000, v6  }
0xc3: {  	(xrf0) =	vmax.scan.msk.f32 $0xffff, v6;
	_ =	sdelay $0x4  }
0xc4: {  	v7 =	vmov s17  }
0xc5: {  	[tilespmem:$0x3000] =	vst v7;
	v6, _, _ =	vpop (xrf0)  }
0xc6: {  	s24 =	smov.u32 s19;
	s22 =	simm.s32 $0x0;
	s23 =	simm.s32 $0x2000;
	[tilespmem:$0x3008] =	vst v7;
	v7 =	vimm.s32 $0x0;
	v8, _, _ =	vpop (xrf1);
	v6 =	vbroadcast v6, $0xF  }
.LBB2_17:
0xc7: {  	v8 =	vld [tilespmem:s23+$0x0];
	_ =	sdelay $0x2  }
0xc8: {  	v9 =	vor.u32 s22, v0  }
0xc9: {  	vm1 =	vlt.s32 v9, v4  }
0xca: {  	v8 =	vnsel vm1, $0x0, v8  }
0xcb: {  	v62 =	vand.u32 $0xFFFFFFF8, v8  }
0xcc: {  	v10 =	vand.u32 $0x7, v8;
	v9 =	vadd.s32 v5, v62  }
0xcd: {  	v9 =	vor.u32 v10, v9;
	_ =	sdelay $0x4  }
0xce: {  	v9 =	vld.idx.msk [tilespmem:v9+s21+$0x0], $0xffff;
	_ =	sdelay $0x4  }
0xcf: {  	v9 =	vnsel vm1, $0xFF800000, v9  }
0xd0: {  	vm1 =	vgt.f32 v9, v6  }
0xd1: {  	v9 =	vsel vm1, $0x1, v3  }
0xd2: {  	(xrf0) =	vadd.scan.msk.s32 $0xffff, v9;
	_ =	sdelay $0x5  }
0xd3: {  	v9, _, _ =	vpop (xrf0)  }
0xd4: {  	v9 =	vadd.s32 v9, v7  }
0xd5: {  	v9 =	vadd.s32 $0xFFFFFFFF, v9  }
0xd6: {  	vm2 =	vlt.s32 v9, $0x18  }
0xd7: {  	vm1 =	vmand vm1, vm2  }
0xd8: {  	p1 =	sne.s32 s24, $0x1  }
.Ltmp12:
0xd9: {  	_ = 	snop;
	(pc) =	sbr.rel @p1 .LBB2_17-.Ltmp12, $4  }
0xda: {  	_ = 	snop  }
0xdb: {  	v63 =	vmpcnt.ones.xlane vm1  }
0xdc: {  	v8 =	vadd.s32 v1, v8  }
0xdd: {  	s23 =	sadd.s32 $0x10, s23;
	s22 =	sadd.s32 $0x10, s22;
	s24 =	sadd.s32 $0xFFFFFFFF, s24;
	v7 =	vadd.s32 v7, v63;
	[tilespmem:v9+s11+$0x0] =	vst.idx.msk vm1, v8  }
.LBB2_18:
0xde: {  	v8 =	vld [tilespmem:s20+$0x0];
	_ =	sdelay $0x2  }
0xdf: {  	v9 =	vor.u32 s21, v0  }
0xe0: {  	vm1 =	vlt.s32 v9, v4  }
0xe1: {  	v8 =	vnsel vm1, $0x0, v8  }
0xe2: {  	v62 =	vand.u32 $0xFFFFFFF8, v8  }
0xe3: {  	v10 =	vand.u32 $0x7, v8;
	v9 =	vadd.s32 v5, v62  }
0xe4: {  	v9 =	vor.u32 v10, v9;
	_ =	sdelay $0x4  }
0xe5: {  	v9 =	vld.idx.msk [tilespmem:v9+s3+$0x0], $0xffff;
	_ =	sdelay $0x4  }
0xe6: {  	v9 =	vnsel vm1, $0xFF800000, v9  }
0xe7: {  	vm1 =	veq.f32 v9, v6  }
0xe8: {  	v9 =	vsel vm1, $0x1, v3  }
0xe9: {  	(xrf0) =	vadd.scan.msk.s32 $0xffff, v9;
	_ =	sdelay $0x5  }
0xea: {  	v9, _, _ =	vpop (xrf0)  }
0xeb: {  	v9 =	vadd.s32 v7, v9  }
0xec: {  	vm2 =	vlt.s32 v9, $0x15  }
0xed: {  	vm1 =	vmand vm1, vm2  }
0xee: {  	p1 =	seq.s32 s19, $0x1;
	v9 =	vadd.s32 $0xFFFFFFFF, v9  }
.Ltmp13:
0xef: {  	_ = 	snop;
	(pc) =	sbr.rel @!p1 .LBB2_18-.Ltmp13, $4  }
0xf0: {  	_ = 	snop  }
0xf1: {  	v63 =	vmpcnt.ones.xlane vm1  }
0xf2: {  	v8 =	vadd.s32 v1, v8  }
0xf3: {  	s20 =	sadd.s32 $0x10, s20;
	s21 =	sadd.s32 $0x10, s21;
	s19 =	sadd.s32 $0xFFFFFFFF, s19;
	v7 =	vadd.s32 v7, v63;
	[tilespmem:v9+s11+$0x0] =	vst.idx.msk vm1, v8  }
.Ltmp14:
0xf4: {  	_ = 	snop;
	(pc) =	sbr.rel .LBB2_20-.Ltmp14, $1  }
0xf5: {  	_ =	sdelay $0x3  }
.LBB2_10:
.Ltmp15:
0xf6: {  	(pc) =	sbr.rel .LBB2_16-.Ltmp15, $2  }
0xf7: {  	_ =	sdelay $0x2  }
0xf8: {  	s22 =	simm.s32 $0x0;
	v9 =	vimm.f32 $-Inf  }
.LBB2_12:
.Ltmp16:
0xf9: {  	(pc) =	sbr.rel .LBB2_16-.Ltmp16, $2  }
0xfa: {  	_ =	sdelay $0x2  }
0xfb: {  	s22 =	simm.s32 $0x0;
	v9 =	vimm.f32 $-Inf  }
.LBB2_14:
.Ltmp17:
0xfc: {  	(pc) =	sbr.rel .LBB2_16-.Ltmp17, $2  }
0xfd: {  	_ =	sdelay $0x2  }
0xfe: {  	v9 =	vimm.f32 $-Inf  }
.LBB2_22:
0xff: {  	_ =	sfence.sel $0x180000  }
0x100: {  	[bflag:$0x0] =	sbarrier.arrive $0xFFFF  }
0x101: {  	p0 =	sne.s32 s1, $0x0;
	_ =	strace $0x9000004A  }
0x102: {  	s0 =	sadd.s32 @!p0 $0x100000, s0;
	[bflag:$0x2] =	sbarrier.arrive $0xFFFF  }
0x103: {  	[sflag:s0] =	ssyncadd.tile.s32 @!p0 $0x1;
	_ =	shalt  }
.Lfunc_end2:
_tile_overlayer_lowered:
.L_overlay_start_2:
0x104: {  	(tag) =	ssettag $0x2  }
0x105: {  	s0 =	rddreg [dreg:$0x0];
	s2 =	stileid.u32  }
0x106: {  	s1 =	rddreg [dreg:$0x1];
	p0 =	sne.s32 s2, $0x0  }
0x107: {  	s3 =	rddreg [dreg:$0x2];
	[bflag:$0x3] =	sbarrier.arrive $0xFFFF;
	s2 =	simm.s32 @!p0 $0x1C03  }
0x108: {  	[timem:s3], [sflag:s2] =	dma.local @!p0 [hbm:s0], s1  }
0x109: {  	s0 =	simm.s32 @!p0 $0x3  }
0x10a: {  	_ =	swait.ge @!p0 [sflag:s0], s1  }
0x10b: {  	s1 =	ssub.s32 @!p0 $0x0, s1;
	[sflag:s0] =	ssyncset.done @!p0 $0x0  }
0x10c: {  	[sflag:s0] =	ssyncadd.s32 @!p0 s1  }
0x10d: {  	[bflag:$0x3] =	sbarrier.arrive $0xFFFF  }
0x10e: {  	_ =	shalt  }

// kernel: sparse-core-data-format-call.cloned.1.call-start
scs
called_computation_lowered:
.L_overlay_start_0:
0x0: {  	s2 =	sld [smem:$0x3FD9]  }
0x1: {  	s3 =	sld [smem:$0x3FFE];
	_ =	sdelay $0x1  }
0x2: {  	s1 =	srdreg.scid  }
0x3: {  	s0 =	sand.u32 $0x1, s1  }
0x4: {  	s18 =	sshll.u32 s0, $0xA;
	s2 =	sadd.s32 s3, s2  }
0x5: {  	s2 =	sadd.s32 s2, s18  }
0x6: {  	[smem:$0x3FC6] =	sst s2  }
0x7: {  	_ = 	snop  }
0x8: {  	s2 =	sld [smem:$0x3FC9];
	(tm) =	ssettm $0x1  }
0x9: {  	s19 =	sld [smem:$0x3FFB];
	_ =	sdelay $0x3  }
0xa: {  	_ =	strace s19  }
0xb: {  	s3 =	sld [smem:$0x3FFC];
	_ =	sdelay $0x3  }
0xc: {  	_ =	strace s3  }
0xd: {  	s3 =	sld [smem:$0x3FFD];
	_ =	sdelay $0x3  }
0xe: {  	_ =	strace s3  }
0xf: {  	_ =	strace $0x8FFFFFFF  }
0x10: {  	s20 =	sld [smem:$0x3FDB];
	_ =	sdelay $0x1  }
0x11: {  	s4 =	simm.s32 $_scs_section_size  }
0x12: {  	s5 =	simm.s32 $_size__tile_overlayer_lowered;
	s6 =	simm.s32 $_tile_overlayer_lowered  }
0x13: {  	s23 =	simm.s32 $0x1BFF;
	s22 =	sshll.u32 s6, $0x1;
	s3 =	sadd.s32 s4, s20  }
0x14: {  	s7 =	simm.s32 $0x0;
	s21 =	sshll.u32 s5, $0x1;
	s5 =	sadd.s32 s22, s3  }
0x15: {  	[timem:s7], [sflag:s23] =	dma.local [hbm:s5], s21  }
0x16: {  	_ =	swait.ge [sflag:s23], s21  }
0x17: {  	s4 =	ssub.s32 $0x0, s21;
	[sflag:s23] =	ssyncset.done $0x0  }
0x18: {  	[sflag:s23] =	ssyncadd.s32 s4;
	_ =	sdelay $0x1  }
0x19: {  	s24 =	simm.s32 $0x1B8B  }
0x1a: {  	_ =	swait.ge [sflag:s24], $0x1  }
0x1b: {  	[sflag:s24] =	ssyncset.done $0x0  }
0x1c: {  	s26 =	simm.s32 $0x1B8E;
	s25 =	sld [smem:$0x3FFE];
	[sflag:s24] =	ssyncadd.s32 $0xFFFFFFFF  }
0x1d: {  	s27 =	simm.s32 $execute0_lowered;
	[smem:$0x3FD2] =	sst s26  }
0x1e: {  	s5 =	sshll.u32 s27, $0x1;
	_ =	strace $0x80000046;
	[dreg:$0x1] =	wrdreg $0xFFFFFFFF  }
0x1f: {  	s28 =	simm.s32 $_size_execute0_lowered;
	s3 =	sadd.s32 s3, s5;
	[dreg:$0x0] =	wrdreg $0x0  }
0x20: {  	s5 =	sshll.u32 s28, $0x1;
	[dreg:$0x2] =	wrdreg s3  }
0x21: {  	[dreg:$0x3] =	wrdreg s5  }
0x22: {  	[dreg:$0x4] =	wrdreg $0xC0  }
0x23: {  	_ =	task [dreg:s7], $0x5FFFF  }
0x24: {  	[dreg:$0x1] =	wrdreg $0xFFFFFFFF  }
0x25: {  	[dreg:$0x0] =	wrdreg $0x60  }
0x26: {  	[dreg:$0x2] =	wrdreg s2  }
0x27: {  	[dreg:$0x3] =	wrdreg s25  }
0x28: {  	[dreg:$0x4] =	wrdreg $0x9  }
0x29: {  	_ =	task.clear_ibuf [dreg:s7], $0x5FFFF;
	_ =	strace $0x90000046  }
0x2a: {  	s29 =	simm.s32 $0x9;
	_ =	strace $0x80000048  }
0x2b: {  	_ =	swait.ge [sflag:s29], $0x1  }
0x2c: {  	[sflag:s29] =	ssyncadd.s32 $0xFFFFFFFF  }
0x2d: {  	_ =	strace $0x90000048  }
0x2e: {  	_ =	sfence  }
0x2f: {  	s30 =	sld [smem:$0x0];
	_ =	sdelay $0x2  }
0x30: {  	s31 =	sshll.u32 s1, $0xD;
	s1 =	sshrl.u32 s1, $0x2  }
0x31: {  	s3 =	sand.u32 $0x4000, s31;
	s1 =	sadd.s32 s1, s30  }
0x32: {  	s0 =	sor.u32 s3, s0;
	s1 =	sshll.u32 s1, $0x11  }
0x33: {  	s0 =	sor.u32 s1, s0  }
0x34: {  	s0 =	sadd.s32 $0x8F2B, s0  }
0x35: {  	[sflag:s0] =	ssyncadd.remote.s32 $0x1  }
0x36: {  	_ =	sfence.sel $0xFFFF  }
0x37: {  	[dreg:$0x0] =	wrdreg $0xFFFFFFFF;
	(pc) =	sbr.abs _section_cstart, $3  }
0x38: {  	[dreg:$0x1] =	wrdreg $0xFFFFFFFF  }
0x39: {  	_ =	task.clear_ibuf [dreg:s7], $0x2FFFF;
	_ =	strace $0x9FFFFFFF  }
0x3a: {  	(tm) =	ssettm $0x7FFFFFFF  }
0x3b: {  	_ =	shalt  }
tec
execute0_lowered:
.L_overlay_start_1:
0x0: {  	(tag) =	ssettag $0x1  }
0x1: {  	s2 =	rddreg [dreg:$0x0]  }
0x2: {  	s1 =	rddreg [dreg:$0x1]  }
0x3: {  	s0 =	rddreg [dreg:$0x2];
	_ =	strace $0x80000047;
	s4 =	srdreg.scid  }
0x4: {  	s6 =	simm.s32 $0x2;
	s11 =	simm.s32 $0x0;
	p0 =	por $0x0, $0x0  }
.Ltmp0:
0x5: {  	s7 =	simm.s32 $0x1000;
	s12 =	simm.s32 $0x0;
	(pc) =	sbr.rel .LBB1_1-.Ltmp0, $4  }
0x6: {  	s9 =	simm.s32 $0x0;
	s3 =	sadd.s32 $0xA00, s1;
	s5 =	sshll.u32 s4, $0x4  }
0x7: {  	s1 =	stileid.u32;
	s4 =	simm.s32 $0x1;
	s5 =	sand.u32 $0x10, s5  }
0x8: {  	s8 =	simm.s32 $0x0;
	[sflag:s4] =	ssyncpa.u1 $0x0;
	s5 =	sor.u32 s1, s5  }
0x9: {  	[sflag:s6] =	ssyncpa.u1 $0x0;
	s6 =	simm.s32 $0x800;
	s10 =	smov.u32 s5  }
.LBB1_7:
0xa: {  	s13 =	sadd.s32 $0x10, s9  }
0xb: {  	s11 =	sadd.s32 $0x20, s10;
	s15 =	smov.u32 s10;
	p2 =	sgt.s32 s13, $0x1F  }
0xc: {  	p1 =	slt.u32 s8, $0x2;
	s15 =	smov.u32 @p2 s11  }
0xd: {  	s8 =	sadd.s32 $0x1, s8;
	s13 =	simm.s32 @p2 $0x0;
	p2 =	sgt.s32 s15, $0x3FF  }
0xe: {  	s15 =	smov.u32 @p2 s5;
	p2 =	sne.s32 s8, $0x42  }
.Ltmp1:
0xf: {  	_ = 	snop;
	(pc) =	sbr.rel @!p2 .LBB1_8-.Ltmp1, $4  }
0x10: {  	s14 =	simm.s32 @!p1 $0x2  }
0x11: {  	s12 =	smov.u32 s10;
	_ =	swait.ge @!p1 [sflag:s14], $0x4000  }
0x12: {  	p0 =	por !p0, !p0;
	s11 =	smov.u32 s9;
	[sflag:s14] =	ssyncset.done @!p1 $0x0  }
0x13: {  	s9 =	smov.u32 s13;
	[sflag:s14] =	ssyncadd.s32 @!p1 $0xFFFFC000;
	s10 =	smov.u32 s15  }
.LBB1_1:
0x14: {  	p1 =	sgt.u32 s8, $0x3F  }
0x15: {  	s13 =	sxor.u32 @!p1 $0xFFFFFFFF, s8;
	s14 =	sshll.u32 @!p1 s10, $0xC  }
0x16: {  	s15 =	sshll.u32 @!p1 s9, $0x7;
	s13 =	sshll.u32 @!p1 s13, $0xE;
	s14 =	sadd.s32 @!p1 s2, s14  }
0x17: {  	s13 =	sand.u32 @!p1 $0x4000, s13;
	s14 =	sadd.s32 @!p1 s15, s14;
	s15 =	simm.s32 @!p1 $0x0  }
0x18: {  	[tilespmem:s13], [sflag:$0x1] =	stream.linear.gather @!p1 [hbm4b:s14+s15], $0x4000, $0x38;
	[tilespmem:$0x10000] =	vst v63  }
0x19: {  	p1 =	seq.s32 s8, $0x0  }
0x1a: {  	p2 =	seq.s32 @!p1 s8, $0x41  }
0x1b: {  	p1 =	por p1, p2  }
.Ltmp2:
0x1c: {  	_ = 	snop;
	(pc) =	sbr.rel @p1 .LBB1_7-.Ltmp2, $1  }
0x1d: {  	_ =	sdelay $0x3  }
0x1e: {  	s13 =	simm.s32 $0x1;
	_ =	swait.ge [sflag:s4], $0x4000;
	s16 =	sshll.u32 s8, $0xE  }
0x1f: {  	s13 =	simm.s32 @!p0 $0x0;
	[sflag:s4] =	ssyncset.done $0x0;
	s31 =	sand.u32 $0x4000, s16  }
0x20: {  	s16 =	simm.s32 $0x0;
	s14 =	sshll.u32 s13, $0xE;
	[sflag:s4] =	ssyncadd.s32 $0xFFFFC000  }
0x21: {  	s13 =	sor.u32 $0x8040, s14;
	s15 =	sor.u32 $0x40, s14;
	s14 =	sor.u32 $0x8000, s31  }
.LBB1_3:
0x22: {  	v0 =	vmov s15;
	_ =	sdelay $0x3  }
0x23: {  	s18 =	simm.s32 $0x0  }
0x24: {  	v6 =	vld.idx.msk [tilespmem:v0+s18+$0x30 ss:$0x1], $0xffff  }
0x25: {  	v7 =	vld.idx.msk [tilespmem:v0+s18+$0xFFFFFFC0 ss:$0x1], $0xffff  }
0x26: {  	v5 =	vld.idx.msk [tilespmem:v0+s18+$0xFFFFFFD0 ss:$0x1], $0xffff  }
0x27: {  	v4 =	vld.idx.msk [tilespmem:v0+s18+$0xFFFFFFE0 ss:$0x1], $0xffff  }
0x28: {  	v3 =	vld.idx.msk [tilespmem:v0+s18+$0xFFFFFFF0 ss:$0x1], $0xffff  }
0x29: {  	v1 =	vld.idx.msk [tilespmem:v0+s18+$0x0 ss:$0x1], $0xffff  }
0x2a: {  	v2 =	vld.idx.msk [tilespmem:v0+s18+$0x10 ss:$0x1], $0xffff;
	[tilespmem:s13+$0x30] =	vst v6  }
0x2b: {  	s17 =	simm.s32 $0x80;
	s19 =	simm.s32 $0x400;
	[tilespmem:s13+$0xFFFFFFC0] =	vst v7;
	v6 =	vld.idx.msk [tilespmem:v0+s18+$0x20 ss:$0x1], $0xffff;
	s18 =	smov.u32 s13  }
.LBB1_4:
0x2c: {  	p1 =	sne.s32 s19, $0xE00;
	v7 =	vld.idx.msk [tilespmem:v0+s17+$0x30 ss:$0x1], $0xffff;
	[tilespmem:s18+$0xFFFFFFD0] =	vst v5  }
0x2d: {  	v8 =	vld.idx.msk [tilespmem:v0+s17+$0xFFFFFFC0 ss:$0x1], $0xffff;
	[tilespmem:s18+$0xFFFFFFE0] =	vst v4  }
0x2e: {  	v5 =	vld.idx.msk [tilespmem:v0+s17+$0xFFFFFFD0 ss:$0x1], $0xffff;
	[tilespmem:s18+$0xFFFFFFF0] =	vst v3  }
.Ltmp3:
0x2f: {  	v4 =	vld.idx.msk [tilespmem:v0+s17+$0xFFFFFFE0 ss:$0x1], $0xffff;
	[tilespmem:s18+$0x0] =	vst v1;
	(pc) =	sbr.rel @p1 .LBB1_4-.Ltmp3, $4  }
0x30: {  	v3 =	vld.idx.msk [tilespmem:v0+s17+$0xFFFFFFF0 ss:$0x1], $0xffff;
	[tilespmem:s18+$0x10] =	vst v2  }
0x31: {  	v1 =	vld.idx.msk [tilespmem:v0+s17+$0x0 ss:$0x1], $0xffff;
	[tilespmem:s18+$0x20] =	vst v6;
	s18 =	sadd.s32 $0x800, s18  }
0x32: {  	v2 =	vld.idx.msk [tilespmem:v0+s17+$0x10 ss:$0x1], $0xffff;
	[tilespmem:s18+$0x30] =	vst v7  }
0x33: {  	[tilespmem:s18+$0xFFFFFFC0] =	vst v8;
	v6 =	vld.idx.msk [tilespmem:v0+s17+$0x20 ss:$0x1], $0xffff;
	s17 =	sshra.s32 s19, $0x2;
	s19 =	sadd.s32 $0x200, s19  }
0x34: {  	_ =	sdelay $0x2  }
0x35: {  	[tilespmem:s18+$0xFFFFFFD0] =	vst v5  }
0x36: {  	v56 =	vld.idx.msk [tilespmem:v0+s17+$0x30 ss:$0x1], $0xffff;
	[tilespmem:s18+$0xFFFFFFE0] =	vst v4  }
0x37: {  	v57 =	vld.idx.msk [tilespmem:v0+s17+$0xFFFFFFC0 ss:$0x1], $0xffff;
	[tilespmem:s18+$0xFFFFFFF0] =	vst v3  }
0x38: {  	v58 =	vld.idx.msk [tilespmem:v0+s17+$0xFFFFFFD0 ss:$0x1], $0xffff;
	[tilespmem:s18+$0x0] =	vst v1  }
0x39: {  	v59 =	vld.idx.msk [tilespmem:v0+s17+$0xFFFFFFE0 ss:$0x1], $0xffff;
	[tilespmem:s18+$0x10] =	vst v2  }
0x3a: {  	v60 =	vld.idx.msk [tilespmem:v0+s17+$0xFFFFFFF0 ss:$0x1], $0xffff;
	s31 =	sadd.s32 $0x800, s18;
	[tilespmem:s18+$0x20] =	vst v6  }
0x3b: {  	v61 =	vld.idx.msk [tilespmem:v0+s17+$0x0 ss:$0x1], $0xffff;
	[tilespmem:s31+$0x30] =	vst v56  }
0x3c: {  	v62 =	vld.idx.msk [tilespmem:v0+s17+$0x10 ss:$0x1], $0xffff;
	s16 =	sadd.s32 $0x1, s16;
	[tilespmem:s31+$0xFFFFFFC0] =	vst v57  }
0x3d: {  	v63 =	vld.idx.msk [tilespmem:v0+s17+$0x20 ss:$0x1], $0xffff;
	p1 =	sne.s32 s16, $0x10;
	[tilespmem:s31+$0xFFFFFFD0] =	vst v58  }
.Ltmp4:
0x3e: {  	[tilespmem:s31+$0xFFFFFFE0] =	vst v59;
	(pc) =	sbr.rel @p1 .LBB1_3-.Ltmp4, $4  }
0x3f: {  	[tilespmem:s31+$0xFFFFFFF0] =	vst v60  }
0x40: {  	[tilespmem:s31+$0x0] =	vst v61  }
0x41: {  	[tilespmem:s31+$0x10] =	vst v62  }
0x42: {  	s13 =	sadd.s32 $0x80, s13;
	s15 =	sadd.s32 $0x400, s15;
	[tilespmem:s31+$0x20] =	vst v63  }
.Ltmp5:
0x43: {  	(pc) =	sbr.rel .LBB1_7-.Ltmp5, $4  }
0x44: {  	s12 =	sshll.u32 s12, $0xC;
	s11 =	sshll.u32 s11, $0x4  }
0x45: {  	s11 =	sand.u32 $0x1F0, s11;
	s12 =	sadd.s32 s3, s12  }
0x46: {  	s11 =	sadd.s32 s11, s12  }
0x47: {  	[hbm4b:s11+s6] =	stream.strided.scatter [tilespmem:s14], [sflag:$0x2], $0x4000, s7, s6, $0x38;
	[tilespmem:$0x10000] =	vst v63  }
.LBB1_8:
0x48: {  	_ =	sfence.sel $0x180000  }
0x49: {  	s2 =	simm.s32 $0x1;
	[bflag:$0x0] =	sbarrier.arrive $0xFFFF  }
0x4a: {  	s31 =	simm.s32 $0x2;
	[sflag:s2] =	ssyncpa.u1 $0x1  }
0x4b: {  	[sflag:s31] =	ssyncpa.u1 $0x1  }
0x4c: {  	p0 =	sne.s32 s1, $0x0;
	_ =	strace $0x90000047  }
0x4d: {  	s0 =	sadd.s32 @!p0 $0x100000, s0;
	[bflag:$0x2] =	sbarrier.arrive $0xFFFF  }
0x4e: {  	[sflag:s0] =	ssyncadd.tile.s32 @!p0 $0x1;
	_ =	shalt  }
.Lfunc_end1:
_tile_overlayer_lowered:
.L_overlay_start_2:
0x4f: {  	(tag) =	ssettag $0x2  }
0x50: {  	s0 =	rddreg [dreg:$0x0];
	s2 =	stileid.u32  }
0x51: {  	s1 =	rddreg [dreg:$0x1];
	p0 =	sne.s32 s2, $0x0  }
0x52: {  	s3 =	rddreg [dreg:$0x2];
	[bflag:$0x3] =	sbarrier.arrive $0xFFFF;
	s2 =	simm.s32 @!p0 $0x1C01  }
0x53: {  	[timem:s3], [sflag:s2] =	dma.local @!p0 [hbm:s0], s1  }
0x54: {  	s0 =	simm.s32 @!p0 $0x1  }
0x55: {  	_ =	swait.ge @!p0 [sflag:s0], s1  }
0x56: {  	s1 =	ssub.s32 @!p0 $0x0, s1;
	[sflag:s0] =	ssyncset.done @!p0 $0x0  }
0x57: {  	[sflag:s0] =	ssyncadd.s32 @!p0 s1  }
0x58: {  	[bflag:$0x3] =	sbarrier.arrive $0xFFFF  }
0x59: {  	_ =	shalt  }

</sc_bundles>
